<compile_context>
chip_gen: v7x
topology: tpu7x:2x2x1
jax: 0.10.2.dev20260603
libtpu: 0.0.44.dev20260713+nightly
codegen_flags: <defaults>
</compile_context>

<pallas_src>
import functools

import jax
import jax.numpy as jnp
from jax import lax
from jax.experimental import pallas as pl
from jax.experimental.pallas import tpu as pltpu
from jax.experimental.pallas import tpu_sc as plsc

N = 10000
NPAD = 10240
E = 320000
NC, NS = 2, 16
NW = NC * NS
EPT = E // NW
C = 500
NCH = EPT // C
C16 = 1250
NCH16 = EPT // C16
ROWS_PT = NPAD // NS

_mesh = plsc.VectorSubcoreMesh(core_axis_name="c", subcore_axis_name="s")
_sc_params = pltpu.CompilerParams(use_tc_tiling_on_sc=False)


def _hist_sc(cols2d, zeros16, ones_pay):

    @functools.partial(
        pl.kernel,
        out_type=jax.ShapeDtypeStruct((NC, NPAD, 16), jnp.float32),
        mesh=_mesh,
        compiler_params=_sc_params,
        scratch_types=[
            pltpu.VMEM_SHARED((NPAD, 16), jnp.float32),
            pltpu.VMEM((NCH16, C16), jnp.int32),
            pltpu.VMEM((C16, 16), jnp.float32),
            pltpu.SemaphoreType.DMA,
        ],
    )
    def k(cols_hbm, zeros_hbm, ones_hbm, out_hbm, acc_sh, cv, onesv, sem):
        cid = lax.axis_index("c")
        sid = lax.axis_index("s")
        wid = sid * NC + cid
        rbase = sid * ROWS_PT
        pltpu.sync_copy(ones_hbm, onesv)
        pltpu.sync_copy(cols_hbm.at[pl.ds(wid * NCH16, NCH16)], cv)
        pltpu.sync_copy(zeros_hbm.at[pl.ds(rbase, ROWS_PT)],
                        acc_sh.at[pl.ds(rbase, ROWS_PT)])
        plsc.subcore_barrier()

        @pl.loop(0, NCH16)
        def _(j):
            pltpu.async_copy(onesv, acc_sh.at[cv.at[j]], sem, add=True)

        @pl.loop(0, NCH16)
        def _(j):
            pltpu.make_async_copy(onesv, acc_sh.at[cv.at[j]], sem).wait()

        plsc.subcore_barrier()
        pltpu.sync_copy(acc_sh.at[pl.ds(rbase, ROWS_PT)],
                        out_hbm.at[cid, pl.ds(rbase, ROWS_PT)])

    return k(cols2d, zeros16, ones_pay)


def _agg_sc(payload, rows2d, cols2d, width, c, nch):

    @functools.partial(
        pl.kernel,
        out_type=jax.ShapeDtypeStruct((NC, NPAD, width), jnp.float32),
        mesh=_mesh,
        compiler_params=_sc_params,
        scratch_types=[
            pltpu.VMEM_SHARED((NPAD, width), jnp.float32),
            pltpu.VMEM((nch, c), jnp.int32),
            pltpu.VMEM((nch, c), jnp.int32),
            pltpu.VMEM((c, width), jnp.float32),
            pltpu.VMEM((c, width), jnp.float32),
            pltpu.SemaphoreType.DMA,
            pltpu.SemaphoreType.DMA,
            pltpu.SemaphoreType.DMA,
            pltpu.SemaphoreType.DMA,
        ],
    )
    def k(pay_hbm, rows_hbm, cols_hbm, out_hbm, acc_sh, rv, cv, b0, b1,
          gs0, gs1, ss0, ss1):
        cid = lax.axis_index("c")
        sid = lax.axis_index("s")
        wid = sid * NC + cid
        rbase = sid * ROWS_PT
        cbase = wid * nch
        pltpu.sync_copy(rows_hbm.at[pl.ds(cbase, nch)], rv)
        pltpu.sync_copy(cols_hbm.at[pl.ds(cbase, nch)], cv)
        pltpu.async_copy(pay_hbm.at[rv.at[0]], b0, gs0)
        pltpu.sync_copy(pay_hbm.at[pl.ds(rbase, ROWS_PT)],
                        acc_sh.at[pl.ds(rbase, ROWS_PT)])
        plsc.subcore_barrier()

        @pl.loop(0, nch, step=2)
        def _(jj):
            g1 = pltpu.async_copy(pay_hbm.at[rv.at[jj + 1]], b1, gs1)
            pltpu.make_async_copy(pay_hbm.at[rv.at[jj]], b0, gs0).wait()
            s0 = pltpu.async_copy(b0, acc_sh.at[cv.at[jj]], ss0, add=True)
            g1.wait()
            s1 = pltpu.async_copy(b1, acc_sh.at[cv.at[jj + 1]], ss1, add=True)
            s0.wait()

            @pl.when(jj + 2 < nch)
            def _():
                pltpu.async_copy(pay_hbm.at[rv.at[jj + 2]], b0, gs0)

            s1.wait()

        plsc.subcore_barrier()
        pltpu.sync_copy(acc_sh.at[pl.ds(rbase, ROWS_PT)],
                        out_hbm.at[cid, pl.ds(rbase, ROWS_PT)])

    return k(payload, rows2d, cols2d)


def _dis(degp_ref):
    deg = degp_ref[0, :, 0:1] + degp_ref[1, :, 0:1] + 1.0
    return lax.rsqrt(deg)


def _mm_tc(x_pad, W1):
    def body(x_ref, w_ref, h_ref):
        h_ref[...] = jnp.dot(x_ref[...], w_ref[...],
                             preferred_element_type=jnp.float32)

    return pl.pallas_call(
        body,
        out_shape=jax.ShapeDtypeStruct((NPAD, 64), jnp.float32),
    )(x_pad, W1)


def _scale_tc(degp, h):
    def body(degp_ref, h_ref, hs_ref):
        hs_ref[...] = h_ref[...] * _dis(degp_ref)

    return pl.pallas_call(
        body,
        out_shape=jax.ShapeDtypeStruct((NPAD, 64), jnp.float32),
    )(degp, h)


def _mid_tc(p, degp, hs, b1, W2):
    def body(p_ref, degp_ref, hs_ref, b1_ref, w2_ref, zp_ref):
        dis = _dis(degp_ref)
        pre = dis * (p_ref[0] + p_ref[1] - hs_ref[...]) + b1_ref[...]
        y = jnp.maximum(pre, 0.0)
        z = jnp.dot(y, w2_ref[...], preferred_element_type=jnp.float32)
        zs = dis * z
        zp_ref[...] = lax.broadcast_in_dim(zs, (NPAD, 16), (0, 1))

    return pl.pallas_call(
        body,
        out_shape=jax.ShapeDtypeStruct((NPAD, 16), jnp.float32),
    )(p, degp, hs, b1, W2)


def _out_tc(q, degp, zp, b2):
    def body(q_ref, degp_ref, zp_ref, b2_ref, o_ref):
        dis = _dis(degp_ref)
        seg = q_ref[0, :, 0:1] + q_ref[1, :, 0:1] - zp_ref[:, 0:1]
        o_ref[...] = dis * seg + b2_ref[...]

    return pl.pallas_call(
        body,
        out_shape=jax.ShapeDtypeStruct((NPAD, 1), jnp.float32),
    )(q, degp, zp, b2)


@jax.jit
def kernel(x, edge_index, W1, b1, W2, b2):
    ei = edge_index.astype(jnp.int32)
    rows2d = ei[0].reshape(E // C, C)
    cols2d = ei[1].reshape(E // C, C)
    rows2d16 = ei[0].reshape(E // C16, C16)
    cols2d16 = ei[1].reshape(E // C16, C16)
    x_pad = jnp.pad(x, ((0, NPAD - N), (0, 0)))
    zeros16 = jnp.zeros((NPAD, 16), jnp.float32)
    ones_pay = jnp.ones((C16, 16), jnp.float32)

    h = _mm_tc(x_pad, W1)
    degp = _hist_sc(cols2d16, zeros16, ones_pay)
    hs = _scale_tc(degp, h)
    p = _agg_sc(hs, rows2d, cols2d, 64, C, NCH)
    zp = _mid_tc(p, degp, hs, b1.reshape(1, 64), W2)
    q = _agg_sc(zp, rows2d16, cols2d16, 16, C16, NCH16)
    out = _out_tc(q, degp, zp, b2.reshape(1, 1))
    return out[:N]

# --- scband reference (transcript-rebuilt; emitter-appended) ---
"""Pipeline reference for scband-gcn-2044404433338 (READ-ONLY COPY).

The authoritative reference and input builder live on the scoring server;
editing this copy changes nothing except your own understanding.
"""

import jax, jax.numpy as jnp
import numpy as np

N_NODES = 10000
D_IN = 128
D_HID = 64
N_EDGES = 320000


def _gcn_conv(x, edge_index, W, b, num_nodes):
    # Faithful GCNConv: add self-loops, symmetric normalization, linear, scatter-add aggregate, bias.
    row = edge_index[0]
    col = edge_index[1]
    loop = jnp.arange(num_nodes, dtype=edge_index.dtype)
    row = jnp.concatenate([row, loop])
    col = jnp.concatenate([col, loop])
    ones = jnp.ones(row.shape[0], dtype=x.dtype)
    deg = jnp.zeros((num_nodes,), dtype=x.dtype).at[col].add(ones)
    deg_inv_sqrt = jnp.where(deg > 0, deg ** -0.5, 0.0)
    norm = deg_inv_sqrt[row] * deg_inv_sqrt[col]
    h = x @ W
    msg = h[row] * norm[:, None]
    out = jax.ops.segment_sum(msg, col, num_segments=num_nodes)
    return out + b


def setup_inputs(seed: int = 0) -> dict:
    key = jax.random.key(seed)
    k1, k2, k3, k4, k5 = jax.random.split(key, 5)
    x = jax.random.normal(k1, (N_NODES, D_IN), dtype=jnp.float32)
    edge_index = jax.random.randint(k2, (2, N_EDGES), 0, N_NODES, dtype=jnp.int64)
    s1 = 1.0 / np.sqrt(D_IN)
    s2 = 1.0 / np.sqrt(D_HID)
    W1 = jax.random.uniform(k3, (D_IN, D_HID), dtype=jnp.float32, minval=-s1, maxval=s1)
    b1 = jnp.zeros((D_HID,), dtype=jnp.float32)
    W2 = jax.random.uniform(k4, (D_HID, 1), dtype=jnp.float32, minval=-s2, maxval=s2)
    b2 = jnp.zeros((1,), dtype=jnp.float32)
    return {"x": x, "edge_index": edge_index, "W1": W1, "b1": b1, "W2": W2, "b2": b2}


def reference(x, edge_index, W1, b1, W2, b2):
    num_nodes = x.shape[0]
    h = _gcn_conv(x, edge_index, W1, b1, num_nodes)
    h = jax.nn.relu(h)
    out = _gcn_conv(h, edge_index, W2, b2, num_nodes)
    return out

if __name__ == "__main__":
    import jax
    _d = setup_inputs()
    print(jax.jit(kernel)(*tuple(_d.values())))

</pallas_src>

<mosaic_0001>
#map = affine_map<(d0, d1) -> (0, 0)>
#map1 = affine_map<(d0, d1) -> (0, 0, 0)>
module attributes {stable_mosaic.version = 14 : i64} {
  func.func @k(%arg0: i32, %arg1: i32, %arg2: memref<10240x64xf32, #tpu.memory_space<hbm>>, %arg3: memref<640x500xi32, #tpu.memory_space<hbm>>, %arg4: memref<640x500xi32, #tpu.memory_space<hbm>>, %arg5: memref<2x10240x64xf32, #tpu.memory_space<hbm>>, %arg6: memref<10240x64xf32, #tpu.memory_space<vmem_shared>>, %arg7: memref<20x500xi32, #tpu.memory_space<vmem>>, %arg8: memref<20x500xi32, #tpu.memory_space<vmem>>, %arg9: memref<500x64xf32, #tpu.memory_space<vmem>>, %arg10: memref<500x64xf32, #tpu.memory_space<vmem>>, %arg11: memref<!tpu.dma_semaphore, #tpu.memory_space<semaphore_mem>>, %arg12: memref<!tpu.dma_semaphore, #tpu.memory_space<semaphore_mem>>, %arg13: memref<!tpu.dma_semaphore, #tpu.memory_space<semaphore_mem>>, %arg14: memref<!tpu.dma_semaphore, #tpu.memory_space<semaphore_mem>>) attributes {dimension_semantics = [#tpu.dimension_semantics<core_parallel>, #tpu.dimension_semantics<subcore_parallel>], iteration_bounds = array<i64: 2, 16>, scalar_prefetch = 0 : i64, scratch_operands = 9 : i64, tpu.core_type = #tpu.core_type<sc_vector_subcore>, window_params = [{transform_indices = #map}, {transform_indices = #map}, {transform_indices = #map}, {transform_indices = #map1}]} {
    %mul3A = arith.constant 2 : i32
    %mul3A_0 = arith.muli %arg1, %mul3A : i32
    %add3A = arith.addi %mul3A_0, %arg0 : i32
    %mul3A_1 = arith.constant 640 : i32
    %mul3A_2 = arith.muli %arg1, %mul3A_1 : i32
    %mul3A_3 = arith.constant 20 : i32
    %mul3A_4 = arith.muli %add3A, %mul3A_3 : i32
    "tpu.region"() ({
      %run_scoped3A = tpu.sem_alloc : memref<!tpu.dma_semaphore, #tpu.memory_space<semaphore_mem>>
      %dma_start3A_16 = arith.constant 0 : i32
      %dma_start3A_17 = tpu.memref_slice %arg3[%mul3A_4, %dma_start3A_16] : memref<640x500xi32, #tpu.memory_space<hbm>> -> memref<20x500xi32, #tpu.memory_space<hbm>>
      %dma_start3A_18 = arith.constant 0 : i32
      %dma_start3A_19 = tpu.memref_slice %arg3[%mul3A_4, %dma_start3A_18] : memref<640x500xi32, #tpu.memory_space<hbm>> -> memref<20x500xi32, #tpu.memory_space<hbm>>
      tpu.enqueue_dma source(%dma_start3A_19 : memref<20x500xi32, #tpu.memory_space<hbm>>) target(%arg7 : memref<20x500xi32, #tpu.memory_space<vmem>>) target_semaphore(%run_scoped3A : memref<!tpu.dma_semaphore, #tpu.memory_space<semaphore_mem>>)
      %dma_wait3A = arith.constant 0 : i32
      %dma_wait3A_20 = tpu.memref_slice %arg3[%mul3A_4, %dma_wait3A] : memref<640x500xi32, #tpu.memory_space<hbm>> -> memref<20x500xi32, #tpu.memory_space<hbm>>
      %dma_wait3A_21 = arith.constant 0 : i32
      %dma_wait3A_22 = tpu.memref_slice %arg3[%mul3A_4, %dma_wait3A_21] : memref<640x500xi32, #tpu.memory_space<hbm>> -> memref<20x500xi32, #tpu.memory_space<hbm>>
      tpu.wait_dma2 semaphore(%run_scoped3A : memref<!tpu.dma_semaphore, #tpu.memory_space<semaphore_mem>>) src(%dma_wait3A_22 : memref<20x500xi32, #tpu.memory_space<hbm>>) dst(%arg7 : memref<20x500xi32, #tpu.memory_space<vmem>>)
      tpu.yield
    }) : () -> ()
    "tpu.region"() ({
      %run_scoped3A = tpu.sem_alloc : memref<!tpu.dma_semaphore, #tpu.memory_space<semaphore_mem>>
      %dma_start3A_16 = arith.constant 0 : i32
      %dma_start3A_17 = tpu.memref_slice %arg4[%mul3A_4, %dma_start3A_16] : memref<640x500xi32, #tpu.memory_space<hbm>> -> memref<20x500xi32, #tpu.memory_space<hbm>>
      %dma_start3A_18 = arith.constant 0 : i32
      %dma_start3A_19 = tpu.memref_slice %arg4[%mul3A_4, %dma_start3A_18] : memref<640x500xi32, #tpu.memory_space<hbm>> -> memref<20x500xi32, #tpu.memory_space<hbm>>
      tpu.enqueue_dma source(%dma_start3A_19 : memref<20x500xi32, #tpu.memory_space<hbm>>) target(%arg8 : memref<20x500xi32, #tpu.memory_space<vmem>>) target_semaphore(%run_scoped3A : memref<!tpu.dma_semaphore, #tpu.memory_space<semaphore_mem>>)
      %dma_wait3A = arith.constant 0 : i32
      %dma_wait3A_20 = tpu.memref_slice %arg4[%mul3A_4, %dma_wait3A] : memref<640x500xi32, #tpu.memory_space<hbm>> -> memref<20x500xi32, #tpu.memory_space<hbm>>
      %dma_wait3A_21 = arith.constant 0 : i32
      %dma_wait3A_22 = tpu.memref_slice %arg4[%mul3A_4, %dma_wait3A_21] : memref<640x500xi32, #tpu.memory_space<hbm>> -> memref<20x500xi32, #tpu.memory_space<hbm>>
      tpu.wait_dma2 semaphore(%run_scoped3A : memref<!tpu.dma_semaphore, #tpu.memory_space<semaphore_mem>>) src(%dma_wait3A_22 : memref<20x500xi32, #tpu.memory_space<hbm>>) dst(%arg8 : memref<20x500xi32, #tpu.memory_space<vmem>>)
      tpu.yield
    }) : () -> ()
    %dma_start3A = arith.constant 0 : i32
    %dma_start3A_5 = arith.constant 0 : i32
    %dma_start3A_6 = tpu.memref_slice %arg7[%dma_start3A, %dma_start3A_5] : memref<20x500xi32, #tpu.memory_space<vmem>> -> memref<1x500xi32, #tpu.memory_space<vmem>>
    %dma_start3A_7 = tpu.memref_squeeze %dma_start3A_6 : memref<1x500xi32, #tpu.memory_space<vmem>> -> memref<500xi32, #tpu.memory_space<vmem>>
    %dma_start3A_8 = arith.constant 0 : i32
    %dma_start3A_9 = arith.constant 0 : i32
    %dma_start3A_10 = tpu.memref_slice %arg2[%dma_start3A_8, %dma_start3A_9] : memref<10240x64xf32, #tpu.memory_space<hbm>> -> memref<10240x64xf32, #tpu.memory_space<hbm>>
    tpu.enqueue_indirect_dma source(%dma_start3A_10 : memref<10240x64xf32, #tpu.memory_space<hbm>>) target(%arg9 : memref<500x64xf32, #tpu.memory_space<vmem>>) offsets(%dma_start3A_7 : memref<500xi32, #tpu.memory_space<vmem>>) semaphore(%arg11 : memref<!tpu.dma_semaphore, #tpu.memory_space<semaphore_mem>>)
    "tpu.region"() ({
      %run_scoped3A = tpu.sem_alloc : memref<!tpu.dma_semaphore, #tpu.memory_space<semaphore_mem>>
      %dma_start3A_16 = arith.constant 0 : i32
      %dma_start3A_17 = tpu.memref_slice %arg6[%mul3A_2, %dma_start3A_16] : memref<10240x64xf32, #tpu.memory_space<vmem_shared>> -> memref<640x64xf32, #tpu.memory_space<vmem_shared>>
      %dma_start3A_18 = arith.constant 0 : i32
      %dma_start3A_19 = tpu.memref_slice %arg2[%mul3A_2, %dma_start3A_18] : memref<10240x64xf32, #tpu.memory_space<hbm>> -> memref<640x64xf32, #tpu.memory_space<hbm>>
      tpu.enqueue_dma source(%dma_start3A_19 : memref<640x64xf32, #tpu.memory_space<hbm>>) target(%dma_start3A_17 : memref<640x64xf32, #tpu.memory_space<vmem_shared>>) target_semaphore(%run_scoped3A : memref<!tpu.dma_semaphore, #tpu.memory_space<semaphore_mem>>)
      %dma_wait3A = arith.constant 0 : i32
      %dma_wait3A_20 = tpu.memref_slice %arg6[%mul3A_2, %dma_wait3A] : memref<10240x64xf32, #tpu.memory_space<vmem_shared>> -> memref<640x64xf32, #tpu.memory_space<vmem_shared>>
      %dma_wait3A_21 = arith.constant 0 : i32
      %dma_wait3A_22 = tpu.memref_slice %arg2[%mul3A_2, %dma_wait3A_21] : memref<10240x64xf32, #tpu.memory_space<hbm>> -> memref<640x64xf32, #tpu.memory_space<hbm>>
      tpu.wait_dma2 semaphore(%run_scoped3A : memref<!tpu.dma_semaphore, #tpu.memory_space<semaphore_mem>>) src(%dma_wait3A_22 : memref<640x64xf32, #tpu.memory_space<hbm>>) dst(%dma_wait3A_20 : memref<640x64xf32, #tpu.memory_space<vmem_shared>>)
      tpu.yield
    }) : () -> ()
    %barrier3A = arith.constant 0 : index
    tpu.barrier barrier_id(%barrier3A)
    %scan3A = arith.constant 0 : i32
    %scan3A_11 = arith.constant 10 : i32
    %scan3A_12 = arith.addi %scan3A, %scan3A_11 : i32
    %scan3A_13 = arith.constant 1 : i32
    scf.for %scan3A_16 = %scan3A to %scan3A_12 step %scan3A_13  : i32 {
      %mul3A_17 = arith.constant 2 : i32
      %mul3A_18 = arith.muli %scan3A_16, %mul3A_17 : i32
      %add3A_19 = arith.constant 0 : i32
      %add3A_20 = arith.addi %add3A_19, %mul3A_18 : i32
      %add3A_21 = arith.constant 1 : i32
      %add3A_22 = arith.addi %add3A_20, %add3A_21 : i32
      %dma_start3A_23 = arith.constant 0 : i32
      %dma_start3A_24 = tpu.memref_slice %arg7[%add3A_22, %dma_start3A_23] : memref<20x500xi32, #tpu.memory_space<vmem>> -> memref<1x500xi32, #tpu.memory_space<vmem>>
      %dma_start3A_25 = tpu.memref_squeeze %dma_start3A_24 : memref<1x500xi32, #tpu.memory_space<vmem>> -> memref<500xi32, #tpu.memory_space<vmem>>
      %dma_start3A_26 = arith.constant 0 : i32
      %dma_start3A_27 = arith.constant 0 : i32
      %dma_start3A_28 = tpu.memref_slice %arg2[%dma_start3A_26, %dma_start3A_27] : memref<10240x64xf32, #tpu.memory_space<hbm>> -> memref<10240x64xf32, #tpu.memory_space<hbm>>
      tpu.enqueue_indirect_dma source(%dma_start3A_28 : memref<10240x64xf32, #tpu.memory_space<hbm>>) target(%arg10 : memref<500x64xf32, #tpu.memory_space<vmem>>) offsets(%dma_start3A_25 : memref<500xi32, #tpu.memory_space<vmem>>) semaphore(%arg12 : memref<!tpu.dma_semaphore, #tpu.memory_space<semaphore_mem>>)
      %dma_wait3A = arith.constant 0 : i32
      %dma_wait3A_29 = tpu.memref_slice %arg7[%add3A_20, %dma_wait3A] : memref<20x500xi32, #tpu.memory_space<vmem>> -> memref<1x500xi32, #tpu.memory_space<vmem>>
      %dma_wait3A_30 = tpu.memref_squeeze %dma_wait3A_29 : memref<1x500xi32, #tpu.memory_space<vmem>> -> memref<500xi32, #tpu.memory_space<vmem>>
      %dma_wait3A_31 = arith.constant 0 : i32
      %dma_wait3A_32 = arith.constant 0 : i32
      %dma_wait3A_33 = tpu.memref_slice %arg2[%dma_wait3A_31, %dma_wait3A_32] : memref<10240x64xf32, #tpu.memory_space<hbm>> -> memref<10240x64xf32, #tpu.memory_space<hbm>>
      tpu.wait_indirect_dma semaphore(%arg11 : memref<!tpu.dma_semaphore, #tpu.memory_space<semaphore_mem>>) src(%dma_wait3A_33 : memref<10240x64xf32, #tpu.memory_space<hbm>>) dst(%arg9 : memref<500x64xf32, #tpu.memory_space<vmem>>)
      %dma_start3A_34 = arith.constant 0 : i32
      %dma_start3A_35 = tpu.memref_slice %arg8[%add3A_20, %dma_start3A_34] : memref<20x500xi32, #tpu.memory_space<vmem>> -> memref<1x500xi32, #tpu.memory_space<vmem>>
      %dma_start3A_36 = tpu.memref_squeeze %dma_start3A_35 : memref<1x500xi32, #tpu.memory_space<vmem>> -> memref<500xi32, #tpu.memory_space<vmem>>
      %dma_start3A_37 = arith.constant 0 : i32
      %dma_start3A_38 = arith.constant 0 : i32
      %dma_start3A_39 = tpu.memref_slice %arg6[%dma_start3A_37, %dma_start3A_38] : memref<10240x64xf32, #tpu.memory_space<vmem_shared>> -> memref<10240x64xf32, #tpu.memory_space<vmem_shared>>
      tpu.enqueue_indirect_dma source(%arg9 : memref<500x64xf32, #tpu.memory_space<vmem>>) target(%dma_start3A_39 : memref<10240x64xf32, #tpu.memory_space<vmem_shared>>) offsets(%dma_start3A_36 : memref<500xi32, #tpu.memory_space<vmem>>) semaphore(%arg13 : memref<!tpu.dma_semaphore, #tpu.memory_space<semaphore_mem>>) {add = true}
      %dma_wait3A_40 = arith.constant 0 : i32
      %dma_wait3A_41 = tpu.memref_slice %arg7[%add3A_22, %dma_wait3A_40] : memref<20x500xi32, #tpu.memory_space<vmem>> -> memref<1x500xi32, #tpu.memory_space<vmem>>
      %dma_wait3A_42 = tpu.memref_squeeze %dma_wait3A_41 : memref<1x500xi32, #tpu.memory_space<vmem>> -> memref<500xi32, #tpu.memory_space<vmem>>
      %dma_wait3A_43 = arith.constant 0 : i32
      %dma_wait3A_44 = arith.constant 0 : i32
      %dma_wait3A_45 = tpu.memref_slice %arg2[%dma_wait3A_43, %dma_wait3A_44] : memref<10240x64xf32, #tpu.memory_space<hbm>> -> memref<10240x64xf32, #tpu.memory_space<hbm>>
      tpu.wait_indirect_dma semaphore(%arg12 : memref<!tpu.dma_semaphore, #tpu.memory_space<semaphore_mem>>) src(%dma_wait3A_45 : memref<10240x64xf32, #tpu.memory_space<hbm>>) dst(%arg10 : memref<500x64xf32, #tpu.memory_space<vmem>>)
      %add3A_46 = arith.constant 1 : i32
      %add3A_47 = arith.addi %add3A_20, %add3A_46 : i32
      %dma_start3A_48 = arith.constant 0 : i32
      %dma_start3A_49 = tpu.memref_slice %arg8[%add3A_47, %dma_start3A_48] : memref<20x500xi32, #tpu.memory_space<vmem>> -> memref<1x500xi32, #tpu.memory_space<vmem>>
      %dma_start3A_50 = tpu.memref_squeeze %dma_start3A_49 : memref<1x500xi32, #tpu.memory_space<vmem>> -> memref<500xi32, #tpu.memory_space<vmem>>
      %dma_start3A_51 = arith.constant 0 : i32
      %dma_start3A_52 = arith.constant 0 : i32
      %dma_start3A_53 = tpu.memref_slice %arg6[%dma_start3A_51, %dma_start3A_52] : memref<10240x64xf32, #tpu.memory_space<vmem_shared>> -> memref<10240x64xf32, #tpu.memory_space<vmem_shared>>
      tpu.enqueue_indirect_dma source(%arg10 : memref<500x64xf32, #tpu.memory_space<vmem>>) target(%dma_start3A_53 : memref<10240x64xf32, #tpu.memory_space<vmem_shared>>) offsets(%dma_start3A_50 : memref<500xi32, #tpu.memory_space<vmem>>) semaphore(%arg14 : memref<!tpu.dma_semaphore, #tpu.memory_space<semaphore_mem>>) {add = true}
      %dma_wait3A_54 = arith.constant 0 : i32
      %dma_wait3A_55 = tpu.memref_slice %arg8[%add3A_20, %dma_wait3A_54] : memref<20x500xi32, #tpu.memory_space<vmem>> -> memref<1x500xi32, #tpu.memory_space<vmem>>
      %dma_wait3A_56 = tpu.memref_squeeze %dma_wait3A_55 : memref<1x500xi32, #tpu.memory_space<vmem>> -> memref<500xi32, #tpu.memory_space<vmem>>
      %dma_wait3A_57 = arith.constant 0 : i32
      %dma_wait3A_58 = arith.constant 0 : i32
      %dma_wait3A_59 = tpu.memref_slice %arg6[%dma_wait3A_57, %dma_wait3A_58] : memref<10240x64xf32, #tpu.memory_space<vmem_shared>> -> memref<10240x64xf32, #tpu.memory_space<vmem_shared>>
      tpu.wait_indirect_dma semaphore(%arg13 : memref<!tpu.dma_semaphore, #tpu.memory_space<semaphore_mem>>) src(%arg9 : memref<500x64xf32, #tpu.memory_space<vmem>>) dst(%dma_wait3A_59 : memref<10240x64xf32, #tpu.memory_space<vmem_shared>>)
      %add3A_60 = arith.constant 2 : i32
      %add3A_61 = arith.addi %add3A_20, %add3A_60 : i32
      %lt3A = arith.constant 20 : i32
      %lt3A_62 = arith.cmpi slt, %add3A_61, %lt3A : i32
      %convert_element_type3A = arith.extui %lt3A_62 : i1 to i32
      %cond3A = arith.constant 0 : i32
      %cond3A_63 = arith.cmpi ne, %convert_element_type3A, %cond3A : i32
      scf.if %cond3A_63 {
        %add3A_70 = arith.constant 2 : i32
        %add3A_71 = arith.addi %add3A_20, %add3A_70 : i32
        %dma_start3A_72 = arith.constant 0 : i32
        %dma_start3A_73 = tpu.memref_slice %arg7[%add3A_71, %dma_start3A_72] : memref<20x500xi32, #tpu.memory_space<vmem>> -> memref<1x500xi32, #tpu.memory_space<vmem>>
        %dma_start3A_74 = tpu.memref_squeeze %dma_start3A_73 : memref<1x500xi32, #tpu.memory_space<vmem>> -> memref<500xi32, #tpu.memory_space<vmem>>
        %dma_start3A_75 = arith.constant 0 : i32
        %dma_start3A_76 = arith.constant 0 : i32
        %dma_start3A_77 = tpu.memref_slice %arg2[%dma_start3A_75, %dma_start3A_76] : memref<10240x64xf32, #tpu.memory_space<hbm>> -> memref<10240x64xf32, #tpu.memory_space<hbm>>
        tpu.enqueue_indirect_dma source(%dma_start3A_77 : memref<10240x64xf32, #tpu.memory_space<hbm>>) target(%arg9 : memref<500x64xf32, #tpu.memory_space<vmem>>) offsets(%dma_start3A_74 : memref<500xi32, #tpu.memory_space<vmem>>) semaphore(%arg11 : memref<!tpu.dma_semaphore, #tpu.memory_space<semaphore_mem>>)
      } else {
      }
      %dma_wait3A_64 = arith.constant 0 : i32
      %dma_wait3A_65 = tpu.memref_slice %arg8[%add3A_47, %dma_wait3A_64] : memref<20x500xi32, #tpu.memory_space<vmem>> -> memref<1x500xi32, #tpu.memory_space<vmem>>
      %dma_wait3A_66 = tpu.memref_squeeze %dma_wait3A_65 : memref<1x500xi32, #tpu.memory_space<vmem>> -> memref<500xi32, #tpu.memory_space<vmem>>
      %dma_wait3A_67 = arith.constant 0 : i32
      %dma_wait3A_68 = arith.constant 0 : i32
      %dma_wait3A_69 = tpu.memref_slice %arg6[%dma_wait3A_67, %dma_wait3A_68] : memref<10240x64xf32, #tpu.memory_space<vmem_shared>> -> memref<10240x64xf32, #tpu.memory_space<vmem_shared>>
      tpu.wait_indirect_dma semaphore(%arg14 : memref<!tpu.dma_semaphore, #tpu.memory_space<semaphore_mem>>) src(%arg10 : memref<500x64xf32, #tpu.memory_space<vmem>>) dst(%dma_wait3A_69 : memref<10240x64xf32, #tpu.memory_space<vmem_shared>>)
    }
    %scan3A_14 = arith.constant 10 : i32
    %barrier3A_15 = arith.constant 0 : index
    tpu.barrier barrier_id(%barrier3A_15)
    "tpu.region"() ({
      %run_scoped3A = tpu.sem_alloc : memref<!tpu.dma_semaphore, #tpu.memory_space<semaphore_mem>>
      %dma_start3A_16 = arith.constant 0 : i32
      %dma_start3A_17 = tpu.memref_slice %arg5[%arg0, %mul3A_2, %dma_start3A_16] : memref<2x10240x64xf32, #tpu.memory_space<hbm>> -> memref<1x640x64xf32, #tpu.memory_space<hbm>>
      %dma_start3A_18 = tpu.memref_squeeze %dma_start3A_17 : memref<1x640x64xf32, #tpu.memory_space<hbm>> -> memref<640x64xf32, #tpu.memory_space<hbm>>
      %dma_start3A_19 = arith.constant 0 : i32
      %dma_start3A_20 = tpu.memref_slice %arg6[%mul3A_2, %dma_start3A_19] : memref<10240x64xf32, #tpu.memory_space<vmem_shared>> -> memref<640x64xf32, #tpu.memory_space<vmem_shared>>
      tpu.enqueue_dma source(%dma_start3A_20 : memref<640x64xf32, #tpu.memory_space<vmem_shared>>) target(%dma_start3A_18 : memref<640x64xf32, #tpu.memory_space<hbm>>) target_semaphore(%run_scoped3A : memref<!tpu.dma_semaphore, #tpu.memory_space<semaphore_mem>>)
      %dma_wait3A = arith.constant 0 : i32
      %dma_wait3A_21 = tpu.memref_slice %arg5[%arg0, %mul3A_2, %dma_wait3A] : memref<2x10240x64xf32, #tpu.memory_space<hbm>> -> memref<1x640x64xf32, #tpu.memory_space<hbm>>
      %dma_wait3A_22 = tpu.memref_squeeze %dma_wait3A_21 : memref<1x640x64xf32, #tpu.memory_space<hbm>> -> memref<640x64xf32, #tpu.memory_space<hbm>>
      %dma_wait3A_23 = arith.constant 0 : i32
      %dma_wait3A_24 = tpu.memref_slice %arg6[%mul3A_2, %dma_wait3A_23] : memref<10240x64xf32, #tpu.memory_space<vmem_shared>> -> memref<640x64xf32, #tpu.memory_space<vmem_shared>>
      tpu.wait_dma2 semaphore(%run_scoped3A : memref<!tpu.dma_semaphore, #tpu.memory_space<semaphore_mem>>) src(%dma_wait3A_24 : memref<640x64xf32, #tpu.memory_space<vmem_shared>>) dst(%dma_wait3A_22 : memref<640x64xf32, #tpu.memory_space<hbm>>)
      tpu.yield
    }) : () -> ()
    return
  }
}

#map = affine_map<(d0, d1) -> (0, 0)>
#map1 = affine_map<(d0, d1) -> (0, 0, 0)>
module attributes {stable_mosaic.version = 14 : i64} {
  func.func @k(%arg0: i32, %arg1: i32, %arg2: memref<256x1250xi32, #tpu.memory_space<hbm>>, %arg3: memref<10240x16xf32, #tpu.memory_space<hbm>>, %arg4: memref<1250x16xf32, #tpu.memory_space<hbm>>, %arg5: memref<2x10240x16xf32, #tpu.memory_space<hbm>>, %arg6: memref<10240x16xf32, #tpu.memory_space<vmem_shared>>, %arg7: memref<8x1250xi32, #tpu.memory_space<vmem>>, %arg8: memref<1250x16xf32, #tpu.memory_space<vmem>>, %arg9: memref<!tpu.dma_semaphore, #tpu.memory_space<semaphore_mem>>) attributes {dimension_semantics = [#tpu.dimension_semantics<core_parallel>, #tpu.dimension_semantics<subcore_parallel>], iteration_bounds = array<i64: 2, 16>, scalar_prefetch = 0 : i64, scratch_operands = 4 : i64, tpu.core_type = #tpu.core_type<sc_vector_subcore>, window_params = [{transform_indices = #map}, {transform_indices = #map}, {transform_indices = #map}, {transform_indices = #map1}]} {
    %mul3A = arith.constant 2 : i32
    %mul3A_0 = arith.muli %arg1, %mul3A : i32
    %add3A = arith.addi %mul3A_0, %arg0 : i32
    %mul3A_1 = arith.constant 640 : i32
    %mul3A_2 = arith.muli %arg1, %mul3A_1 : i32
    "tpu.region"() ({
      %run_scoped3A = tpu.sem_alloc : memref<!tpu.dma_semaphore, #tpu.memory_space<semaphore_mem>>
      tpu.enqueue_dma source(%arg4 : memref<1250x16xf32, #tpu.memory_space<hbm>>) target(%arg8 : memref<1250x16xf32, #tpu.memory_space<vmem>>) target_semaphore(%run_scoped3A : memref<!tpu.dma_semaphore, #tpu.memory_space<semaphore_mem>>)
      tpu.wait_dma2 semaphore(%run_scoped3A : memref<!tpu.dma_semaphore, #tpu.memory_space<semaphore_mem>>) src(%arg4 : memref<1250x16xf32, #tpu.memory_space<hbm>>) dst(%arg8 : memref<1250x16xf32, #tpu.memory_space<vmem>>)
      tpu.yield
    }) : () -> ()
    %mul3A_3 = arith.constant 8 : i32
    %mul3A_4 = arith.muli %add3A, %mul3A_3 : i32
    "tpu.region"() ({
      %run_scoped3A = tpu.sem_alloc : memref<!tpu.dma_semaphore, #tpu.memory_space<semaphore_mem>>
      %dma_start3A = arith.constant 0 : i32
      %dma_start3A_15 = tpu.memref_slice %arg2[%mul3A_4, %dma_start3A] : memref<256x1250xi32, #tpu.memory_space<hbm>> -> memref<8x1250xi32, #tpu.memory_space<hbm>>
      %dma_start3A_16 = arith.constant 0 : i32
      %dma_start3A_17 = tpu.memref_slice %arg2[%mul3A_4, %dma_start3A_16] : memref<256x1250xi32, #tpu.memory_space<hbm>> -> memref<8x1250xi32, #tpu.memory_space<hbm>>
      tpu.enqueue_dma source(%dma_start3A_17 : memref<8x1250xi32, #tpu.memory_space<hbm>>) target(%arg7 : memref<8x1250xi32, #tpu.memory_space<vmem>>) target_semaphore(%run_scoped3A : memref<!tpu.dma_semaphore, #tpu.memory_space<semaphore_mem>>)
      %dma_wait3A = arith.constant 0 : i32
      %dma_wait3A_18 = tpu.memref_slice %arg2[%mul3A_4, %dma_wait3A] : memref<256x1250xi32, #tpu.memory_space<hbm>> -> memref<8x1250xi32, #tpu.memory_space<hbm>>
      %dma_wait3A_19 = arith.constant 0 : i32
      %dma_wait3A_20 = tpu.memref_slice %arg2[%mul3A_4, %dma_wait3A_19] : memref<256x1250xi32, #tpu.memory_space<hbm>> -> memref<8x1250xi32, #tpu.memory_space<hbm>>
      tpu.wait_dma2 semaphore(%run_scoped3A : memref<!tpu.dma_semaphore, #tpu.memory_space<semaphore_mem>>) src(%dma_wait3A_20 : memref<8x1250xi32, #tpu.memory_space<hbm>>) dst(%arg7 : memref<8x1250xi32, #tpu.memory_space<vmem>>)
      tpu.yield
    }) : () -> ()
    "tpu.region"() ({
      %run_scoped3A = tpu.sem_alloc : memref<!tpu.dma_semaphore, #tpu.memory_space<semaphore_mem>>
      %dma_start3A = arith.constant 0 : i32
      %dma_start3A_15 = tpu.memref_slice %arg6[%mul3A_2, %dma_start3A] : memref<10240x16xf32, #tpu.memory_space<vmem_shared>> -> memref<640x16xf32, #tpu.memory_space<vmem_shared>>
      %dma_start3A_16 = arith.constant 0 : i32
      %dma_start3A_17 = tpu.memref_slice %arg3[%mul3A_2, %dma_start3A_16] : memref<10240x16xf32, #tpu.memory_space<hbm>> -> memref<640x16xf32, #tpu.memory_space<hbm>>
      tpu.enqueue_dma source(%dma_start3A_17 : memref<640x16xf32, #tpu.memory_space<hbm>>) target(%dma_start3A_15 : memref<640x16xf32, #tpu.memory_space<vmem_shared>>) target_semaphore(%run_scoped3A : memref<!tpu.dma_semaphore, #tpu.memory_space<semaphore_mem>>)
      %dma_wait3A = arith.constant 0 : i32
      %dma_wait3A_18 = tpu.memref_slice %arg6[%mul3A_2, %dma_wait3A] : memref<10240x16xf32, #tpu.memory_space<vmem_shared>> -> memref<640x16xf32, #tpu.memory_space<vmem_shared>>
      %dma_wait3A_19 = arith.constant 0 : i32
      %dma_wait3A_20 = tpu.memref_slice %arg3[%mul3A_2, %dma_wait3A_19] : memref<10240x16xf32, #tpu.memory_space<hbm>> -> memref<640x16xf32, #tpu.memory_space<hbm>>
      tpu.wait_dma2 semaphore(%run_scoped3A : memref<!tpu.dma_semaphore, #tpu.memory_space<semaphore_mem>>) src(%dma_wait3A_20 : memref<640x16xf32, #tpu.memory_space<hbm>>) dst(%dma_wait3A_18 : memref<640x16xf32, #tpu.memory_space<vmem_shared>>)
      tpu.yield
    }) : () -> ()
    %barrier3A = arith.constant 0 : index
    tpu.barrier barrier_id(%barrier3A)
    %scan3A = arith.constant 0 : i32
    %scan3A_5 = arith.constant 8 : i32
    %scan3A_6 = arith.addi %scan3A, %scan3A_5 : i32
    %scan3A_7 = arith.constant 1 : i32
    scf.for %scan3A_15 = %scan3A to %scan3A_6 step %scan3A_7  : i32 {
      %mul3A_16 = arith.constant 1 : i32
      %mul3A_17 = arith.muli %scan3A_15, %mul3A_16 : i32
      %add3A_18 = arith.constant 0 : i32
      %add3A_19 = arith.addi %add3A_18, %mul3A_17 : i32
      %dma_start3A = arith.constant 0 : i32
      %dma_start3A_20 = tpu.memref_slice %arg7[%add3A_19, %dma_start3A] : memref<8x1250xi32, #tpu.memory_space<vmem>> -> memref<1x1250xi32, #tpu.memory_space<vmem>>
      %dma_start3A_21 = tpu.memref_squeeze %dma_start3A_20 : memref<1x1250xi32, #tpu.memory_space<vmem>> -> memref<1250xi32, #tpu.memory_space<vmem>>
      %dma_start3A_22 = arith.constant 0 : i32
      %dma_start3A_23 = arith.constant 0 : i32
      %dma_start3A_24 = tpu.memref_slice %arg6[%dma_start3A_22, %dma_start3A_23] : memref<10240x16xf32, #tpu.memory_space<vmem_shared>> -> memref<10240x16xf32, #tpu.memory_space<vmem_shared>>
      tpu.enqueue_indirect_dma source(%arg8 : memref<1250x16xf32, #tpu.memory_space<vmem>>) target(%dma_start3A_24 : memref<10240x16xf32, #tpu.memory_space<vmem_shared>>) offsets(%dma_start3A_21 : memref<1250xi32, #tpu.memory_space<vmem>>) semaphore(%arg9 : memref<!tpu.dma_semaphore, #tpu.memory_space<semaphore_mem>>) {add = true}
    }
    %scan3A_8 = arith.constant 8 : i32
    %scan3A_9 = arith.constant 0 : i32
    %scan3A_10 = arith.constant 8 : i32
    %scan3A_11 = arith.addi %scan3A_9, %scan3A_10 : i32
    %scan3A_12 = arith.constant 1 : i32
    scf.for %scan3A_15 = %scan3A_9 to %scan3A_11 step %scan3A_12  : i32 {
      %mul3A_16 = arith.constant 1 : i32
      %mul3A_17 = arith.muli %scan3A_15, %mul3A_16 : i32
      %add3A_18 = arith.constant 0 : i32
      %add3A_19 = arith.addi %add3A_18, %mul3A_17 : i32
      %dma_wait3A = arith.constant 0 : i32
      %dma_wait3A_20 = tpu.memref_slice %arg7[%add3A_19, %dma_wait3A] : memref<8x1250xi32, #tpu.memory_space<vmem>> -> memref<1x1250xi32, #tpu.memory_space<vmem>>
      %dma_wait3A_21 = tpu.memref_squeeze %dma_wait3A_20 : memref<1x1250xi32, #tpu.memory_space<vmem>> -> memref<1250xi32, #tpu.memory_space<vmem>>
      %dma_wait3A_22 = arith.constant 0 : i32
      %dma_wait3A_23 = arith.constant 0 : i32
      %dma_wait3A_24 = tpu.memref_slice %arg6[%dma_wait3A_22, %dma_wait3A_23] : memref<10240x16xf32, #tpu.memory_space<vmem_shared>> -> memref<10240x16xf32, #tpu.memory_space<vmem_shared>>
      tpu.wait_indirect_dma semaphore(%arg9 : memref<!tpu.dma_semaphore, #tpu.memory_space<semaphore_mem>>) src(%arg8 : memref<1250x16xf32, #tpu.memory_space<vmem>>) dst(%dma_wait3A_24 : memref<10240x16xf32, #tpu.memory_space<vmem_shared>>)
    }
    %scan3A_13 = arith.constant 8 : i32
    %barrier3A_14 = arith.constant 0 : index
    tpu.barrier barrier_id(%barrier3A_14)
    "tpu.region"() ({
      %run_scoped3A = tpu.sem_alloc : memref<!tpu.dma_semaphore, #tpu.memory_space<semaphore_mem>>
      %dma_start3A = arith.constant 0 : i32
      %dma_start3A_15 = tpu.memref_slice %arg5[%arg0, %mul3A_2, %dma_start3A] : memref<2x10240x16xf32, #tpu.memory_space<hbm>> -> memref<1x640x16xf32, #tpu.memory_space<hbm>>
      %dma_start3A_16 = tpu.memref_squeeze %dma_start3A_15 : memref<1x640x16xf32, #tpu.memory_space<hbm>> -> memref<640x16xf32, #tpu.memory_space<hbm>>
      %dma_start3A_17 = arith.constant 0 : i32
      %dma_start3A_18 = tpu.memref_slice %arg6[%mul3A_2, %dma_start3A_17] : memref<10240x16xf32, #tpu.memory_space<vmem_shared>> -> memref<640x16xf32, #tpu.memory_space<vmem_shared>>
      tpu.enqueue_dma source(%dma_start3A_18 : memref<640x16xf32, #tpu.memory_space<vmem_shared>>) target(%dma_start3A_16 : memref<640x16xf32, #tpu.memory_space<hbm>>) target_semaphore(%run_scoped3A : memref<!tpu.dma_semaphore, #tpu.memory_space<semaphore_mem>>)
      %dma_wait3A = arith.constant 0 : i32
      %dma_wait3A_19 = tpu.memref_slice %arg5[%arg0, %mul3A_2, %dma_wait3A] : memref<2x10240x16xf32, #tpu.memory_space<hbm>> -> memref<1x640x16xf32, #tpu.memory_space<hbm>>
      %dma_wait3A_20 = tpu.memref_squeeze %dma_wait3A_19 : memref<1x640x16xf32, #tpu.memory_space<hbm>> -> memref<640x16xf32, #tpu.memory_space<hbm>>
      %dma_wait3A_21 = arith.constant 0 : i32
      %dma_wait3A_22 = tpu.memref_slice %arg6[%mul3A_2, %dma_wait3A_21] : memref<10240x16xf32, #tpu.memory_space<vmem_shared>> -> memref<640x16xf32, #tpu.memory_space<vmem_shared>>
      tpu.wait_dma2 semaphore(%run_scoped3A : memref<!tpu.dma_semaphore, #tpu.memory_space<semaphore_mem>>) src(%dma_wait3A_22 : memref<640x16xf32, #tpu.memory_space<vmem_shared>>) dst(%dma_wait3A_20 : memref<640x16xf32, #tpu.memory_space<hbm>>)
      tpu.yield
    }) : () -> ()
    return
  }
}

#map = affine_map<(d0, d1) -> (0, 0)>
#map1 = affine_map<(d0, d1) -> (0, 0, 0)>
module attributes {stable_mosaic.version = 14 : i64} {
  func.func @k(%arg0: i32, %arg1: i32, %arg2: memref<10240x16xf32, #tpu.memory_space<hbm>>, %arg3: memref<256x1250xi32, #tpu.memory_space<hbm>>, %arg4: memref<256x1250xi32, #tpu.memory_space<hbm>>, %arg5: memref<2x10240x16xf32, #tpu.memory_space<hbm>>, %arg6: memref<10240x16xf32, #tpu.memory_space<vmem_shared>>, %arg7: memref<8x1250xi32, #tpu.memory_space<vmem>>, %arg8: memref<8x1250xi32, #tpu.memory_space<vmem>>, %arg9: memref<1250x16xf32, #tpu.memory_space<vmem>>, %arg10: memref<1250x16xf32, #tpu.memory_space<vmem>>, %arg11: memref<!tpu.dma_semaphore, #tpu.memory_space<semaphore_mem>>, %arg12: memref<!tpu.dma_semaphore, #tpu.memory_space<semaphore_mem>>, %arg13: memref<!tpu.dma_semaphore, #tpu.memory_space<semaphore_mem>>, %arg14: memref<!tpu.dma_semaphore, #tpu.memory_space<semaphore_mem>>) attributes {dimension_semantics = [#tpu.dimension_semantics<core_parallel>, #tpu.dimension_semantics<subcore_parallel>], iteration_bounds = array<i64: 2, 16>, scalar_prefetch = 0 : i64, scratch_operands = 9 : i64, tpu.core_type = #tpu.core_type<sc_vector_subcore>, window_params = [{transform_indices = #map}, {transform_indices = #map}, {transform_indices = #map}, {transform_indices = #map1}]} {
    %mul3A = arith.constant 2 : i32
    %mul3A_0 = arith.muli %arg1, %mul3A : i32
    %add3A = arith.addi %mul3A_0, %arg0 : i32
    %mul3A_1 = arith.constant 640 : i32
    %mul3A_2 = arith.muli %arg1, %mul3A_1 : i32
    %mul3A_3 = arith.constant 8 : i32
    %mul3A_4 = arith.muli %add3A, %mul3A_3 : i32
    "tpu.region"() ({
      %run_scoped3A = tpu.sem_alloc : memref<!tpu.dma_semaphore, #tpu.memory_space<semaphore_mem>>
      %dma_start3A_16 = arith.constant 0 : i32
      %dma_start3A_17 = tpu.memref_slice %arg3[%mul3A_4, %dma_start3A_16] : memref<256x1250xi32, #tpu.memory_space<hbm>> -> memref<8x1250xi32, #tpu.memory_space<hbm>>
      %dma_start3A_18 = arith.constant 0 : i32
      %dma_start3A_19 = tpu.memref_slice %arg3[%mul3A_4, %dma_start3A_18] : memref<256x1250xi32, #tpu.memory_space<hbm>> -> memref<8x1250xi32, #tpu.memory_space<hbm>>
      tpu.enqueue_dma source(%dma_start3A_19 : memref<8x1250xi32, #tpu.memory_space<hbm>>) target(%arg7 : memref<8x1250xi32, #tpu.memory_space<vmem>>) target_semaphore(%run_scoped3A : memref<!tpu.dma_semaphore, #tpu.memory_space<semaphore_mem>>)
      %dma_wait3A = arith.constant 0 : i32
      %dma_wait3A_20 = tpu.memref_slice %arg3[%mul3A_4, %dma_wait3A] : memref<256x1250xi32, #tpu.memory_space<hbm>> -> memref<8x1250xi32, #tpu.memory_space<hbm>>
      %dma_wait3A_21 = arith.constant 0 : i32
      %dma_wait3A_22 = tpu.memref_slice %arg3[%mul3A_4, %dma_wait3A_21] : memref<256x1250xi32, #tpu.memory_space<hbm>> -> memref<8x1250xi32, #tpu.memory_space<hbm>>
      tpu.wait_dma2 semaphore(%run_scoped3A : memref<!tpu.dma_semaphore, #tpu.memory_space<semaphore_mem>>) src(%dma_wait3A_22 : memref<8x1250xi32, #tpu.memory_space<hbm>>) dst(%arg7 : memref<8x1250xi32, #tpu.memory_space<vmem>>)
      tpu.yield
    }) : () -> ()
    "tpu.region"() ({
      %run_scoped3A = tpu.sem_alloc : memref<!tpu.dma_semaphore, #tpu.memory_space<semaphore_mem>>
      %dma_start3A_16 = arith.constant 0 : i32
      %dma_start3A_17 = tpu.memref_slice %arg4[%mul3A_4, %dma_start3A_16] : memref<256x1250xi32, #tpu.memory_space<hbm>> -> memref<8x1250xi32, #tpu.memory_space<hbm>>
      %dma_start3A_18 = arith.constant 0 : i32
      %dma_start3A_19 = tpu.memref_slice %arg4[%mul3A_4, %dma_start3A_18] : memref<256x1250xi32, #tpu.memory_space<hbm>> -> memref<8x1250xi32, #tpu.memory_space<hbm>>
      tpu.enqueue_dma source(%dma_start3A_19 : memref<8x1250xi32, #tpu.memory_space<hbm>>) target(%arg8 : memref<8x1250xi32, #tpu.memory_space<vmem>>) target_semaphore(%run_scoped3A : memref<!tpu.dma_semaphore, #tpu.memory_space<semaphore_mem>>)
      %dma_wait3A = arith.constant 0 : i32
      %dma_wait3A_20 = tpu.memref_slice %arg4[%mul3A_4, %dma_wait3A] : memref<256x1250xi32, #tpu.memory_space<hbm>> -> memref<8x1250xi32, #tpu.memory_space<hbm>>
      %dma_wait3A_21 = arith.constant 0 : i32
      %dma_wait3A_22 = tpu.memref_slice %arg4[%mul3A_4, %dma_wait3A_21] : memref<256x1250xi32, #tpu.memory_space<hbm>> -> memref<8x1250xi32, #tpu.memory_space<hbm>>
      tpu.wait_dma2 semaphore(%run_scoped3A : memref<!tpu.dma_semaphore, #tpu.memory_space<semaphore_mem>>) src(%dma_wait3A_22 : memref<8x1250xi32, #tpu.memory_space<hbm>>) dst(%arg8 : memref<8x1250xi32, #tpu.memory_space<vmem>>)
      tpu.yield
    }) : () -> ()
    %dma_start3A = arith.constant 0 : i32
    %dma_start3A_5 = arith.constant 0 : i32
    %dma_start3A_6 = tpu.memref_slice %arg7[%dma_start3A, %dma_start3A_5] : memref<8x1250xi32, #tpu.memory_space<vmem>> -> memref<1x1250xi32, #tpu.memory_space<vmem>>
    %dma_start3A_7 = tpu.memref_squeeze %dma_start3A_6 : memref<1x1250xi32, #tpu.memory_space<vmem>> -> memref<1250xi32, #tpu.memory_space<vmem>>
    %dma_start3A_8 = arith.constant 0 : i32
    %dma_start3A_9 = arith.constant 0 : i32
    %dma_start3A_10 = tpu.memref_slice %arg2[%dma_start3A_8, %dma_start3A_9] : memref<10240x16xf32, #tpu.memory_space<hbm>> -> memref<10240x16xf32, #tpu.memory_space<hbm>>
    tpu.enqueue_indirect_dma source(%dma_start3A_10 : memref<10240x16xf32, #tpu.memory_space<hbm>>) target(%arg9 : memref<1250x16xf32, #tpu.memory_space<vmem>>) offsets(%dma_start3A_7 : memref<1250xi32, #tpu.memory_space<vmem>>) semaphore(%arg11 : memref<!tpu.dma_semaphore, #tpu.memory_space<semaphore_mem>>)
    "tpu.region"() ({
      %run_scoped3A = tpu.sem_alloc : memref<!tpu.dma_semaphore, #tpu.memory_space<semaphore_mem>>
      %dma_start3A_16 = arith.constant 0 : i32
      %dma_start3A_17 = tpu.memref_slice %arg6[%mul3A_2, %dma_start3A_16] : memref<10240x16xf32, #tpu.memory_space<vmem_shared>> -> memref<640x16xf32, #tpu.memory_space<vmem_shared>>
      %dma_start3A_18 = arith.constant 0 : i32
      %dma_start3A_19 = tpu.memref_slice %arg2[%mul3A_2, %dma_start3A_18] : memref<10240x16xf32, #tpu.memory_space<hbm>> -> memref<640x16xf32, #tpu.memory_space<hbm>>
      tpu.enqueue_dma source(%dma_start3A_19 : memref<640x16xf32, #tpu.memory_space<hbm>>) target(%dma_start3A_17 : memref<640x16xf32, #tpu.memory_space<vmem_shared>>) target_semaphore(%run_scoped3A : memref<!tpu.dma_semaphore, #tpu.memory_space<semaphore_mem>>)
      %dma_wait3A = arith.constant 0 : i32
      %dma_wait3A_20 = tpu.memref_slice %arg6[%mul3A_2, %dma_wait3A] : memref<10240x16xf32, #tpu.memory_space<vmem_shared>> -> memref<640x16xf32, #tpu.memory_space<vmem_shared>>
      %dma_wait3A_21 = arith.constant 0 : i32
      %dma_wait3A_22 = tpu.memref_slice %arg2[%mul3A_2, %dma_wait3A_21] : memref<10240x16xf32, #tpu.memory_space<hbm>> -> memref<640x16xf32, #tpu.memory_space<hbm>>
      tpu.wait_dma2 semaphore(%run_scoped3A : memref<!tpu.dma_semaphore, #tpu.memory_space<semaphore_mem>>) src(%dma_wait3A_22 : memref<640x16xf32, #tpu.memory_space<hbm>>) dst(%dma_wait3A_20 : memref<640x16xf32, #tpu.memory_space<vmem_shared>>)
      tpu.yield
    }) : () -> ()
    %barrier3A = arith.constant 0 : index
    tpu.barrier barrier_id(%barrier3A)
    %scan3A = arith.constant 0 : i32
    %scan3A_11 = arith.constant 4 : i32
    %scan3A_12 = arith.addi %scan3A, %scan3A_11 : i32
    %scan3A_13 = arith.constant 1 : i32
    scf.for %scan3A_16 = %scan3A to %scan3A_12 step %scan3A_13  : i32 {
      %mul3A_17 = arith.constant 2 : i32
      %mul3A_18 = arith.muli %scan3A_16, %mul3A_17 : i32
      %add3A_19 = arith.constant 0 : i32
      %add3A_20 = arith.addi %add3A_19, %mul3A_18 : i32
      %add3A_21 = arith.constant 1 : i32
      %add3A_22 = arith.addi %add3A_20, %add3A_21 : i32
      %dma_start3A_23 = arith.constant 0 : i32
      %dma_start3A_24 = tpu.memref_slice %arg7[%add3A_22, %dma_start3A_23] : memref<8x1250xi32, #tpu.memory_space<vmem>> -> memref<1x1250xi32, #tpu.memory_space<vmem>>
      %dma_start3A_25 = tpu.memref_squeeze %dma_start3A_24 : memref<1x1250xi32, #tpu.memory_space<vmem>> -> memref<1250xi32, #tpu.memory_space<vmem>>
      %dma_start3A_26 = arith.constant 0 : i32
      %dma_start3A_27 = arith.constant 0 : i32
      %dma_start3A_28 = tpu.memref_slice %arg2[%dma_start3A_26, %dma_start3A_27] : memref<10240x16xf32, #tpu.memory_space<hbm>> -> memref<10240x16xf32, #tpu.memory_space<hbm>>
      tpu.enqueue_indirect_dma source(%dma_start3A_28 : memref<10240x16xf32, #tpu.memory_space<hbm>>) target(%arg10 : memref<1250x16xf32, #tpu.memory_space<vmem>>) offsets(%dma_start3A_25 : memref<1250xi32, #tpu.memory_space<vmem>>) semaphore(%arg12 : memref<!tpu.dma_semaphore, #tpu.memory_space<semaphore_mem>>)
      %dma_wait3A = arith.constant 0 : i32
      %dma_wait3A_29 = tpu.memref_slice %arg7[%add3A_20, %dma_wait3A] : memref<8x1250xi32, #tpu.memory_space<vmem>> -> memref<1x1250xi32, #tpu.memory_space<vmem>>
      %dma_wait3A_30 = tpu.memref_squeeze %dma_wait3A_29 : memref<1x1250xi32, #tpu.memory_space<vmem>> -> memref<1250xi32, #tpu.memory_space<vmem>>
      %dma_wait3A_31 = arith.constant 0 : i32
      %dma_wait3A_32 = arith.constant 0 : i32
      %dma_wait3A_33 = tpu.memref_slice %arg2[%dma_wait3A_31, %dma_wait3A_32] : memref<10240x16xf32, #tpu.memory_space<hbm>> -> memref<10240x16xf32, #tpu.memory_space<hbm>>
      tpu.wait_indirect_dma semaphore(%arg11 : memref<!tpu.dma_semaphore, #tpu.memory_space<semaphore_mem>>) src(%dma_wait3A_33 : memref<10240x16xf32, #tpu.memory_space<hbm>>) dst(%arg9 : memref<1250x16xf32, #tpu.memory_space<vmem>>)
      %dma_start3A_34 = arith.constant 0 : i32
      %dma_start3A_35 = tpu.memref_slice %arg8[%add3A_20, %dma_start3A_34] : memref<8x1250xi32, #tpu.memory_space<vmem>> -> memref<1x1250xi32, #tpu.memory_space<vmem>>
      %dma_start3A_36 = tpu.memref_squeeze %dma_start3A_35 : memref<1x1250xi32, #tpu.memory_space<vmem>> -> memref<1250xi32, #tpu.memory_space<vmem>>
      %dma_start3A_37 = arith.constant 0 : i32
      %dma_start3A_38 = arith.constant 0 : i32
      %dma_start3A_39 = tpu.memref_slice %arg6[%dma_start3A_37, %dma_start3A_38] : memref<10240x16xf32, #tpu.memory_space<vmem_shared>> -> memref<10240x16xf32, #tpu.memory_space<vmem_shared>>
      tpu.enqueue_indirect_dma source(%arg9 : memref<1250x16xf32, #tpu.memory_space<vmem>>) target(%dma_start3A_39 : memref<10240x16xf32, #tpu.memory_space<vmem_shared>>) offsets(%dma_start3A_36 : memref<1250xi32, #tpu.memory_space<vmem>>) semaphore(%arg13 : memref<!tpu.dma_semaphore, #tpu.memory_space<semaphore_mem>>) {add = true}
      %dma_wait3A_40 = arith.constant 0 : i32
      %dma_wait3A_41 = tpu.memref_slice %arg7[%add3A_22, %dma_wait3A_40] : memref<8x1250xi32, #tpu.memory_space<vmem>> -> memref<1x1250xi32, #tpu.memory_space<vmem>>
      %dma_wait3A_42 = tpu.memref_squeeze %dma_wait3A_41 : memref<1x1250xi32, #tpu.memory_space<vmem>> -> memref<1250xi32, #tpu.memory_space<vmem>>
      %dma_wait3A_43 = arith.constant 0 : i32
      %dma_wait3A_44 = arith.constant 0 : i32
      %dma_wait3A_45 = tpu.memref_slice %arg2[%dma_wait3A_43, %dma_wait3A_44] : memref<10240x16xf32, #tpu.memory_space<hbm>> -> memref<10240x16xf32, #tpu.memory_space<hbm>>
      tpu.wait_indirect_dma semaphore(%arg12 : memref<!tpu.dma_semaphore, #tpu.memory_space<semaphore_mem>>) src(%dma_wait3A_45 : memref<10240x16xf32, #tpu.memory_space<hbm>>) dst(%arg10 : memref<1250x16xf32, #tpu.memory_space<vmem>>)
      %add3A_46 = arith.constant 1 : i32
      %add3A_47 = arith.addi %add3A_20, %add3A_46 : i32
      %dma_start3A_48 = arith.constant 0 : i32
      %dma_start3A_49 = tpu.memref_slice %arg8[%add3A_47, %dma_start3A_48] : memref<8x1250xi32, #tpu.memory_space<vmem>> -> memref<1x1250xi32, #tpu.memory_space<vmem>>
      %dma_start3A_50 = tpu.memref_squeeze %dma_start3A_49 : memref<1x1250xi32, #tpu.memory_space<vmem>> -> memref<1250xi32, #tpu.memory_space<vmem>>
      %dma_start3A_51 = arith.constant 0 : i32
      %dma_start3A_52 = arith.constant 0 : i32
      %dma_start3A_53 = tpu.memref_slice %arg6[%dma_start3A_51, %dma_start3A_52] : memref<10240x16xf32, #tpu.memory_space<vmem_shared>> -> memref<10240x16xf32, #tpu.memory_space<vmem_shared>>
      tpu.enqueue_indirect_dma source(%arg10 : memref<1250x16xf32, #tpu.memory_space<vmem>>) target(%dma_start3A_53 : memref<10240x16xf32, #tpu.memory_space<vmem_shared>>) offsets(%dma_start3A_50 : memref<1250xi32, #tpu.memory_space<vmem>>) semaphore(%arg14 : memref<!tpu.dma_semaphore, #tpu.memory_space<semaphore_mem>>) {add = true}
      %dma_wait3A_54 = arith.constant 0 : i32
      %dma_wait3A_55 = tpu.memref_slice %arg8[%add3A_20, %dma_wait3A_54] : memref<8x1250xi32, #tpu.memory_space<vmem>> -> memref<1x1250xi32, #tpu.memory_space<vmem>>
      %dma_wait3A_56 = tpu.memref_squeeze %dma_wait3A_55 : memref<1x1250xi32, #tpu.memory_space<vmem>> -> memref<1250xi32, #tpu.memory_space<vmem>>
      %dma_wait3A_57 = arith.constant 0 : i32
      %dma_wait3A_58 = arith.constant 0 : i32
      %dma_wait3A_59 = tpu.memref_slice %arg6[%dma_wait3A_57, %dma_wait3A_58] : memref<10240x16xf32, #tpu.memory_space<vmem_shared>> -> memref<10240x16xf32, #tpu.memory_space<vmem_shared>>
      tpu.wait_indirect_dma semaphore(%arg13 : memref<!tpu.dma_semaphore, #tpu.memory_space<semaphore_mem>>) src(%arg9 : memref<1250x16xf32, #tpu.memory_space<vmem>>) dst(%dma_wait3A_59 : memref<10240x16xf32, #tpu.memory_space<vmem_shared>>)
      %add3A_60 = arith.constant 2 : i32
      %add3A_61 = arith.addi %add3A_20, %add3A_60 : i32
      %lt3A = arith.constant 8 : i32
      %lt3A_62 = arith.cmpi slt, %add3A_61, %lt3A : i32
      %convert_element_type3A = arith.extui %lt3A_62 : i1 to i32
      %cond3A = arith.constant 0 : i32
      %cond3A_63 = arith.cmpi ne, %convert_element_type3A, %cond3A : i32
      scf.if %cond3A_63 {
        %add3A_70 = arith.constant 2 : i32
        %add3A_71 = arith.addi %add3A_20, %add3A_70 : i32
        %dma_start3A_72 = arith.constant 0 : i32
        %dma_start3A_73 = tpu.memref_slice %arg7[%add3A_71, %dma_start3A_72] : memref<8x1250xi32, #tpu.memory_space<vmem>> -> memref<1x1250xi32, #tpu.memory_space<vmem>>
        %dma_start3A_74 = tpu.memref_squeeze %dma_start3A_73 : memref<1x1250xi32, #tpu.memory_space<vmem>> -> memref<1250xi32, #tpu.memory_space<vmem>>
        %dma_start3A_75 = arith.constant 0 : i32
        %dma_start3A_76 = arith.constant 0 : i32
        %dma_start3A_77 = tpu.memref_slice %arg2[%dma_start3A_75, %dma_start3A_76] : memref<10240x16xf32, #tpu.memory_space<hbm>> -> memref<10240x16xf32, #tpu.memory_space<hbm>>
        tpu.enqueue_indirect_dma source(%dma_start3A_77 : memref<10240x16xf32, #tpu.memory_space<hbm>>) target(%arg9 : memref<1250x16xf32, #tpu.memory_space<vmem>>) offsets(%dma_start3A_74 : memref<1250xi32, #tpu.memory_space<vmem>>) semaphore(%arg11 : memref<!tpu.dma_semaphore, #tpu.memory_space<semaphore_mem>>)
      } else {
      }
      %dma_wait3A_64 = arith.constant 0 : i32
      %dma_wait3A_65 = tpu.memref_slice %arg8[%add3A_47, %dma_wait3A_64] : memref<8x1250xi32, #tpu.memory_space<vmem>> -> memref<1x1250xi32, #tpu.memory_space<vmem>>
      %dma_wait3A_66 = tpu.memref_squeeze %dma_wait3A_65 : memref<1x1250xi32, #tpu.memory_space<vmem>> -> memref<1250xi32, #tpu.memory_space<vmem>>
      %dma_wait3A_67 = arith.constant 0 : i32
      %dma_wait3A_68 = arith.constant 0 : i32
      %dma_wait3A_69 = tpu.memref_slice %arg6[%dma_wait3A_67, %dma_wait3A_68] : memref<10240x16xf32, #tpu.memory_space<vmem_shared>> -> memref<10240x16xf32, #tpu.memory_space<vmem_shared>>
      tpu.wait_indirect_dma semaphore(%arg14 : memref<!tpu.dma_semaphore, #tpu.memory_space<semaphore_mem>>) src(%arg10 : memref<1250x16xf32, #tpu.memory_space<vmem>>) dst(%dma_wait3A_69 : memref<10240x16xf32, #tpu.memory_space<vmem_shared>>)
    }
    %scan3A_14 = arith.constant 4 : i32
    %barrier3A_15 = arith.constant 0 : index
    tpu.barrier barrier_id(%barrier3A_15)
    "tpu.region"() ({
      %run_scoped3A = tpu.sem_alloc : memref<!tpu.dma_semaphore, #tpu.memory_space<semaphore_mem>>
      %dma_start3A_16 = arith.constant 0 : i32
      %dma_start3A_17 = tpu.memref_slice %arg5[%arg0, %mul3A_2, %dma_start3A_16] : memref<2x10240x16xf32, #tpu.memory_space<hbm>> -> memref<1x640x16xf32, #tpu.memory_space<hbm>>
      %dma_start3A_18 = tpu.memref_squeeze %dma_start3A_17 : memref<1x640x16xf32, #tpu.memory_space<hbm>> -> memref<640x16xf32, #tpu.memory_space<hbm>>
      %dma_start3A_19 = arith.constant 0 : i32
      %dma_start3A_20 = tpu.memref_slice %arg6[%mul3A_2, %dma_start3A_19] : memref<10240x16xf32, #tpu.memory_space<vmem_shared>> -> memref<640x16xf32, #tpu.memory_space<vmem_shared>>
      tpu.enqueue_dma source(%dma_start3A_20 : memref<640x16xf32, #tpu.memory_space<vmem_shared>>) target(%dma_start3A_18 : memref<640x16xf32, #tpu.memory_space<hbm>>) target_semaphore(%run_scoped3A : memref<!tpu.dma_semaphore, #tpu.memory_space<semaphore_mem>>)
      %dma_wait3A = arith.constant 0 : i32
      %dma_wait3A_21 = tpu.memref_slice %arg5[%arg0, %mul3A_2, %dma_wait3A] : memref<2x10240x16xf32, #tpu.memory_space<hbm>> -> memref<1x640x16xf32, #tpu.memory_space<hbm>>
      %dma_wait3A_22 = tpu.memref_squeeze %dma_wait3A_21 : memref<1x640x16xf32, #tpu.memory_space<hbm>> -> memref<640x16xf32, #tpu.memory_space<hbm>>
      %dma_wait3A_23 = arith.constant 0 : i32
      %dma_wait3A_24 = tpu.memref_slice %arg6[%mul3A_2, %dma_wait3A_23] : memref<10240x16xf32, #tpu.memory_space<vmem_shared>> -> memref<640x16xf32, #tpu.memory_space<vmem_shared>>
      tpu.wait_dma2 semaphore(%run_scoped3A : memref<!tpu.dma_semaphore, #tpu.memory_space<semaphore_mem>>) src(%dma_wait3A_24 : memref<640x16xf32, #tpu.memory_space<vmem_shared>>) dst(%dma_wait3A_22 : memref<640x16xf32, #tpu.memory_space<hbm>>)
      tpu.yield
    }) : () -> ()
    return
  }
}

module attributes {stable_mosaic.version = 14 : i64} {
  func.func @body(%arg0: memref<10240x128xf32, #tpu.memory_space<vmem>>, %arg1: memref<128x64xf32, #tpu.memory_space<vmem>>, %arg2: memref<10240x64xf32, #tpu.memory_space<vmem>>) attributes {dimension_semantics = [], scalar_prefetch = 0 : i64, scratch_operands = 0 : i64, tpu.core_type = #tpu.core_type<tc>} {
    %get3A = arith.constant 0 : index
    %get3A_0 = arith.constant 0 : index
    %get3A_1 = vector.load %arg0[%get3A, %get3A_0] : memref<10240x128xf32, #tpu.memory_space<vmem>>, vector<10240x128xf32>
    %get3A_2 = arith.constant 0 : index
    %get3A_3 = arith.constant 0 : index
    %get3A_4 = vector.load %arg1[%get3A_2, %get3A_3] : memref<128x64xf32, #tpu.memory_space<vmem>>, vector<128x64xf32>
    %dot_general3A = arith.constant dense<0.000000e+00> : vector<10240x64xf32>
    %dot_general3A_5 = tpu.matmul %get3A_1, %get3A_4, %dot_general3A {dimension_numbers = #tpu.dot_dimension_numbers<[1], [0], [0], [1], [0, 0, 1, 1], [], []>, transpose_lhs_hint = false} : vector<10240x128xf32>, vector<128x64xf32>, vector<10240x64xf32> -> vector<10240x64xf32>
    %swap3A = arith.constant 0 : index
    %swap3A_6 = arith.constant 0 : index
    %swap3A_7 = vector.load %arg2[%swap3A, %swap3A_6] : memref<10240x64xf32, #tpu.memory_space<vmem>>, vector<10240x64xf32>
    tpu.vector_store %arg2[%swap3A, %swap3A_6], %dot_general3A_5 {strides = array<i32>} : memref<10240x64xf32, #tpu.memory_space<vmem>>, vector<10240x64xf32>,
    return
  }
}

module attributes {stable_mosaic.version = 14 : i64} {
  func.func @body(%arg0: memref<2x10240x16xf32, #tpu.memory_space<vmem>>, %arg1: memref<10240x64xf32, #tpu.memory_space<vmem>>, %arg2: memref<10240x64xf32, #tpu.memory_space<vmem>>) attributes {dimension_semantics = [], scalar_prefetch = 0 : i64, scratch_operands = 0 : i64, tpu.core_type = #tpu.core_type<tc>} {
    %get3A = arith.constant 0 : index
    %get3A_0 = arith.constant 0 : index
    %get3A_1 = vector.load %arg1[%get3A, %get3A_0] : memref<10240x64xf32, #tpu.memory_space<vmem>>, vector<10240x64xf32>
    %get3A_2 = arith.constant 0 : index
    %get3A_3 = arith.constant 0 : index
    %get3A_4 = arith.constant 0 : index
    %get3A_5 = vector.load %arg0[%get3A_2, %get3A_3, %get3A_4] : memref<2x10240x16xf32, #tpu.memory_space<vmem>>, vector<1x10240x1xf32>
    %get3A_6 = vector.shape_cast %get3A_5 : vector<1x10240x1xf32> to vector<10240x1xf32>
    %get3A_7 = arith.constant 1 : index
    %get3A_8 = arith.constant 0 : index
    %get3A_9 = arith.constant 0 : index
    %get3A_10 = vector.load %arg0[%get3A_7, %get3A_8, %get3A_9] : memref<2x10240x16xf32, #tpu.memory_space<vmem>>, vector<1x10240x1xf32>
    %get3A_11 = vector.shape_cast %get3A_10 : vector<1x10240x1xf32> to vector<10240x1xf32>
    %add3A = arith.addf %get3A_6, %get3A_11 : vector<10240x1xf32>
    %add3A_12 = arith.constant 1.000000e+00 : f32
    %add3A_13 = vector.broadcast %add3A_12 : f32 to vector<10240x1xf32>
    %add3A_14 = arith.addf %add3A, %add3A_13 : vector<10240x1xf32>
    %rsqrt3A = math.rsqrt %add3A_14 : vector<10240x1xf32>
    %mul3A = vector.broadcast %rsqrt3A : vector<10240x1xf32> to vector<10240x64xf32>
    %mul3A_15 = arith.mulf %get3A_1, %mul3A : vector<10240x64xf32>
    %swap3A = arith.constant 0 : index
    %swap3A_16 = arith.constant 0 : index
    %swap3A_17 = vector.load %arg2[%swap3A, %swap3A_16] : memref<10240x64xf32, #tpu.memory_space<vmem>>, vector<10240x64xf32>
    tpu.vector_store %arg2[%swap3A, %swap3A_16], %mul3A_15 {strides = array<i32>} : memref<10240x64xf32, #tpu.memory_space<vmem>>, vector<10240x64xf32>,
    return
  }
}

module attributes {stable_mosaic.version = 14 : i64} {
  func.func @body(%arg0: memref<2x10240x64xf32, #tpu.memory_space<vmem>>, %arg1: memref<2x10240x16xf32, #tpu.memory_space<vmem>>, %arg2: memref<10240x64xf32, #tpu.memory_space<vmem>>, %arg3: memref<1x64xf32, #tpu.memory_space<vmem>>, %arg4: memref<64x1xf32, #tpu.memory_space<vmem>>, %arg5: memref<10240x16xf32, #tpu.memory_space<vmem>>) attributes {dimension_semantics = [], scalar_prefetch = 0 : i64, scratch_operands = 0 : i64, tpu.core_type = #tpu.core_type<tc>} {
    %get3A = arith.constant 0 : index
    %get3A_0 = arith.constant 0 : index
    %get3A_1 = arith.constant 0 : index
    %get3A_2 = vector.load %arg1[%get3A, %get3A_0, %get3A_1] : memref<2x10240x16xf32, #tpu.memory_space<vmem>>, vector<1x10240x1xf32>
    %get3A_3 = vector.shape_cast %get3A_2 : vector<1x10240x1xf32> to vector<10240x1xf32>
    %get3A_4 = arith.constant 1 : index
    %get3A_5 = arith.constant 0 : index
    %get3A_6 = arith.constant 0 : index
    %get3A_7 = vector.load %arg1[%get3A_4, %get3A_5, %get3A_6] : memref<2x10240x16xf32, #tpu.memory_space<vmem>>, vector<1x10240x1xf32>
    %get3A_8 = vector.shape_cast %get3A_7 : vector<1x10240x1xf32> to vector<10240x1xf32>
    %add3A = arith.addf %get3A_3, %get3A_8 : vector<10240x1xf32>
    %add3A_9 = arith.constant 1.000000e+00 : f32
    %add3A_10 = vector.broadcast %add3A_9 : f32 to vector<10240x1xf32>
    %add3A_11 = arith.addf %add3A, %add3A_10 : vector<10240x1xf32>
    %rsqrt3A = math.rsqrt %add3A_11 : vector<10240x1xf32>
    %get3A_12 = arith.constant 0 : index
    %get3A_13 = arith.constant 0 : index
    %get3A_14 = arith.constant 0 : index
    %get3A_15 = vector.load %arg0[%get3A_12, %get3A_13, %get3A_14] : memref<2x10240x64xf32, #tpu.memory_space<vmem>>, vector<1x10240x64xf32>
    %get3A_16 = vector.shape_cast %get3A_15 : vector<1x10240x64xf32> to vector<10240x64xf32>
    %get3A_17 = arith.constant 1 : index
    %get3A_18 = arith.constant 0 : index
    %get3A_19 = arith.constant 0 : index
    %get3A_20 = vector.load %arg0[%get3A_17, %get3A_18, %get3A_19] : memref<2x10240x64xf32, #tpu.memory_space<vmem>>, vector<1x10240x64xf32>
    %get3A_21 = vector.shape_cast %get3A_20 : vector<1x10240x64xf32> to vector<10240x64xf32>
    %add3A_22 = arith.addf %get3A_16, %get3A_21 : vector<10240x64xf32>
    %get3A_23 = arith.constant 0 : index
    %get3A_24 = arith.constant 0 : index
    %get3A_25 = vector.load %arg2[%get3A_23, %get3A_24] : memref<10240x64xf32, #tpu.memory_space<vmem>>, vector<10240x64xf32>
    %sub3A = arith.subf %add3A_22, %get3A_25 : vector<10240x64xf32>
    %mul3A = vector.broadcast %rsqrt3A : vector<10240x1xf32> to vector<10240x64xf32>
    %mul3A_26 = arith.mulf %mul3A, %sub3A : vector<10240x64xf32>
    %get3A_27 = arith.constant 0 : index
    %get3A_28 = arith.constant 0 : index
    %get3A_29 = vector.load %arg3[%get3A_27, %get3A_28] : memref<1x64xf32, #tpu.memory_space<vmem>>, vector<1x64xf32>
    %add3A_30 = vector.broadcast %get3A_29 : vector<1x64xf32> to vector<10240x64xf32>
    %add3A_31 = arith.addf %mul3A_26, %add3A_30 : vector<10240x64xf32>
    %max3A = arith.constant 0.000000e+00 : f32
    %max3A_32 = vector.broadcast %max3A : f32 to vector<10240x64xf32>
    %max3A_33 = arith.maximumf %add3A_31, %max3A_32 : vector<10240x64xf32>
    %get3A_34 = arith.constant 0 : index
    %get3A_35 = arith.constant 0 : index
    %get3A_36 = vector.load %arg4[%get3A_34, %get3A_35] : memref<64x1xf32, #tpu.memory_space<vmem>>, vector<64x1xf32>
    %dot_general3A = arith.constant dense<0.000000e+00> : vector<10240x1xf32>
    %dot_general3A_37 = tpu.matmul %max3A_33, %get3A_36, %dot_general3A {dimension_numbers = #tpu.dot_dimension_numbers<[1], [0], [0], [1], [0, 0, 1, 1], [], []>, transpose_lhs_hint = false} : vector<10240x64xf32>, vector<64x1xf32>, vector<10240x1xf32> -> vector<10240x1xf32>
    %mul3A_38 = arith.mulf %rsqrt3A, %dot_general3A_37 : vector<10240x1xf32>
    %broadcast_in_dim3A = vector.shape_cast %mul3A_38 : vector<10240x1xf32> to vector<10240x1xf32>
    %broadcast_in_dim3A_39 = vector.broadcast %broadcast_in_dim3A : vector<10240x1xf32> to vector<10240x16xf32>
    %swap3A = arith.constant 0 : index
    %swap3A_40 = arith.constant 0 : index
    %swap3A_41 = vector.load %arg5[%swap3A, %swap3A_40] : memref<10240x16xf32, #tpu.memory_space<vmem>>, vector<10240x16xf32>
    tpu.vector_store %arg5[%swap3A, %swap3A_40], %broadcast_in_dim3A_39 {strides = array<i32>} : memref<10240x16xf32, #tpu.memory_space<vmem>>, vector<10240x16xf32>,
    return
  }
}

module attributes {stable_mosaic.version = 14 : i64} {
  func.func @body(%arg0: memref<2x10240x16xf32, #tpu.memory_space<vmem>>, %arg1: memref<2x10240x16xf32, #tpu.memory_space<vmem>>, %arg2: memref<10240x16xf32, #tpu.memory_space<vmem>>, %arg3: memref<1x1xf32, #tpu.memory_space<vmem>>, %arg4: memref<10240x1xf32, #tpu.memory_space<vmem>>) attributes {dimension_semantics = [], scalar_prefetch = 0 : i64, scratch_operands = 0 : i64, tpu.core_type = #tpu.core_type<tc>} {
    %get3A = arith.constant 0 : index
    %get3A_0 = arith.constant 0 : index
    %get3A_1 = arith.constant 0 : index
    %get3A_2 = vector.load %arg1[%get3A, %get3A_0, %get3A_1] : memref<2x10240x16xf32, #tpu.memory_space<vmem>>, vector<1x10240x1xf32>
    %get3A_3 = vector.shape_cast %get3A_2 : vector<1x10240x1xf32> to vector<10240x1xf32>
    %get3A_4 = arith.constant 1 : index
    %get3A_5 = arith.constant 0 : index
    %get3A_6 = arith.constant 0 : index
    %get3A_7 = vector.load %arg1[%get3A_4, %get3A_5, %get3A_6] : memref<2x10240x16xf32, #tpu.memory_space<vmem>>, vector<1x10240x1xf32>
    %get3A_8 = vector.shape_cast %get3A_7 : vector<1x10240x1xf32> to vector<10240x1xf32>
    %add3A = arith.addf %get3A_3, %get3A_8 : vector<10240x1xf32>
    %add3A_9 = arith.constant 1.000000e+00 : f32
    %add3A_10 = vector.broadcast %add3A_9 : f32 to vector<10240x1xf32>
    %add3A_11 = arith.addf %add3A, %add3A_10 : vector<10240x1xf32>
    %rsqrt3A = math.rsqrt %add3A_11 : vector<10240x1xf32>
    %get3A_12 = arith.constant 0 : index
    %get3A_13 = arith.constant 0 : index
    %get3A_14 = arith.constant 0 : index
    %get3A_15 = vector.load %arg0[%get3A_12, %get3A_13, %get3A_14] : memref<2x10240x16xf32, #tpu.memory_space<vmem>>, vector<1x10240x1xf32>
    %get3A_16 = vector.shape_cast %get3A_15 : vector<1x10240x1xf32> to vector<10240x1xf32>
    %get3A_17 = arith.constant 1 : index
    %get3A_18 = arith.constant 0 : index
    %get3A_19 = arith.constant 0 : index
    %get3A_20 = vector.load %arg0[%get3A_17, %get3A_18, %get3A_19] : memref<2x10240x16xf32, #tpu.memory_space<vmem>>, vector<1x10240x1xf32>
    %get3A_21 = vector.shape_cast %get3A_20 : vector<1x10240x1xf32> to vector<10240x1xf32>
    %add3A_22 = arith.addf %get3A_16, %get3A_21 : vector<10240x1xf32>
    %get3A_23 = arith.constant 0 : index
    %get3A_24 = arith.constant 0 : index
    %get3A_25 = vector.load %arg2[%get3A_23, %get3A_24] : memref<10240x16xf32, #tpu.memory_space<vmem>>, vector<10240x1xf32>
    %sub3A = arith.subf %add3A_22, %get3A_25 : vector<10240x1xf32>
    %mul3A = arith.mulf %rsqrt3A, %sub3A : vector<10240x1xf32>
    %get3A_26 = arith.constant 0 : index
    %get3A_27 = arith.constant 0 : index
    %get3A_28 = vector.load %arg3[%get3A_26, %get3A_27] : memref<1x1xf32, #tpu.memory_space<vmem>>, vector<1x1xf32>
    %add3A_29 = vector.broadcast %get3A_28 : vector<1x1xf32> to vector<10240x1xf32>
    %add3A_30 = arith.addf %mul3A, %add3A_29 : vector<10240x1xf32>
    %swap3A = arith.constant 0 : index
    %swap3A_31 = arith.constant 0 : index
    %swap3A_32 = vector.load %arg4[%swap3A, %swap3A_31] : memref<10240x1xf32, #tpu.memory_space<vmem>>, vector<10240x1xf32>
    tpu.vector_store %arg4[%swap3A, %swap3A_31], %add3A_30 {strides = array<i32>} : memref<10240x1xf32, #tpu.memory_space<vmem>>, vector<10240x1xf32>,
    return
  }
}

</mosaic_0001>

<sc_bundles>
// kernel: kernel.12.cloned.1.call-start
scs
__scs_entry_jumppad:
0x0: {  	(pc) =	sbr.rel $0x88, $3  }
0x1: {  	(tag) =	ssettag $0x0;
	lr =	simm.s32 $0x1  }
0x2: {  	[smem:$0x3F9B] =	sst lr;
	_ =	strace $0xD0000000  }
0x3: {  	_ = 	snop  }
0x4: {  	_ = 	snop  }
0x5: {  	_ = 	snop  }
0x6: {  	_ = 	snop  }
0x7: {  	_ = 	snop  }
__scs_overlays_trampoline_lowered:
0x8: {  	[smem:$0x3FAA] =	sst s0  }
0x9: {  	[smem:$0x3FAB] =	sst s1  }
0xa: {  	[smem:$0x3FAC] =	sst s2  }
0xb: {  	[smem:$0x3FAD] =	sst s3  }
0xc: {  	[smem:$0x3FAE] =	sst s4  }
0xd: {  	[smem:$0x3FAF] =	sst s5  }
0xe: {  	[smem:$0x3FB0] =	sst s6  }
0xf: {  	[smem:$0x3FB1] =	sst s7  }
0x10: {  	[smem:$0x3FB2] =	sst s8  }
0x11: {  	[smem:$0x3FB3] =	sst s9;
	s0 =	simm.s32 @!p0 $0x0  }
0x12: {  	s1 =	sld [smem:$0x3F99];
	s0 =	simm.s32 @p0 $0x1  }
0x13: {  	[smem:$0x3FB4] =	sst s0;
	s0 =	simm.s32 @!p1 $0x0  }
0x14: {  	s2 =	sld [smem:$0x3F98];
	s0 =	simm.s32 @p1 $0x1  }
0x15: {  	[smem:$0x3FB5] =	sst s0;
	s0 =	simm.s32 @!p2 $0x0  }
0x16: {  	s3 =	sld [smem:$0x3FDB];
	s0 =	simm.s32 @p2 $0x1  }
0x17: {  	s4 =	simm.s32 $0x1BF5;
	[smem:$0x3FB7] =	sst s0  }
0x18: {  	s0 =	sld [smem:$0x3F9A];
	_ =	swait.ge [sflag:s4], $0x0  }
0x19: {  	s7 =	sld [smem:$0x3F9B]  }
0x1a: {  	s8 =	sadd.s32 $0xFFFFE003, lr  }
0x1b: {  	s9 =	sadd.s32 $0xFFFFFEF7, lr;
	s5 =	simm.s32 $0xFFFFFFFF;
	p2 =	slt.u32 s8, $0xFFFFF086  }
0x1c: {  	p1 =	slt.u32 s9, $0xF7A;
	s5 =	simm.s32 @!p2 $0x0  }
0x1d: {  	s5 =	simm.s32 @p1 $0x1;
	p0 =	seq.s32 s7, s2  }
0x1e: {  	s7 =	smul.u32 @!p0 $0xF7A, s2;
	p2 =	seq.s32 @!p0 s5, $0x0  }
0x1f: {  	s9 =	smul.u32 $0xF7A, s1;
	s8 =	simm.s32 @!p0 $0x1BF5;
	p2 =	por !p2, p0  }
0x20: {  	[sflag:s8] =	ssyncset.s32 @!p0 $0xFFFFF086;
	s6 =	sadd.s32 @!p0 s3, s7;
	s7 =	simm.s32 @!p0 $0x108  }
0x21: {  	s3 =	sadd.s32 s3, s9;
	s6 =	sadd.s32 @!p0 $0x88, s6;
	s7 =	simm.s32 @p2 $0x1082  }
0x22: {  	[simem:s7], [sflag:s8] =	dma.local @!p0 [hbm:s6], $0xF7A  }
0x23: {  	s9 =	sor.u32 $0xD0000000, s2;
	s6 =	simm.s32 $0x108;
	_ =	swait.ge @!p0 [sflag:s8], $0x0  }
0x24: {  	s3 =	sadd.s32 $0x88, s3;
	s6 =	simm.s32 @!p1 $0x1082;
	[sflag:s4] =	ssyncset.s32 $0xFFFFF086  }
0x25: {  	[simem:s6], [sflag:s4] =	dma.local [hbm:s3], $0xF7A  }
0x26: {  	[smem:$0x3F9B] =	sst s1;
	(tag) =	ssettag s2;
	_ =	strace s9  }
0x27: {  	s1 =	sld [smem:$0x3FAB]  }
0x28: {  	s2 =	sld [smem:$0x3FAC]  }
0x29: {  	s4 =	sld [smem:$0x3FAE]  }
0x2a: {  	p0 =	seq.s32 s5, $0x0;
	s5 =	sld [smem:$0x3FAF]  }
0x2b: {  	s6 =	sld [smem:$0x3FB0]  }
0x2c: {  	s7 =	sld [smem:$0x3FB1]  }
0x2d: {  	s3 =	simm.s32 $0x108;
	s8 =	sld [smem:$0x3FB2]  }
0x2e: {  	s3 =	simm.s32 @!p0 $0x1082;
	s9 =	sld [smem:$0x3FB3]  }
0x2f: {  	lr =	sadd.s32 s0, s3;
	s0 =	sld [smem:$0x3FAA]  }
0x30: {  	s3 =	sld [smem:$0x3FAD]  }
0x31: {  	[smem:$0x3FB6] =	sst s10  }
0x32: {  	s10 =	sld [smem:$0x3FB4];
	_ =	sdelay $0x3  }
0x33: {  	p0 =	seq.s32 s10, $0x1;
	s10 =	sld [smem:$0x3FB6];
	_ =	sdelay $0x3  }
0x34: {  	[smem:$0x3FB6] =	sst s10  }
0x35: {  	s10 =	sld [smem:$0x3FB5];
	_ =	sdelay $0x3  }
0x36: {  	p1 =	seq.s32 s10, $0x1;
	s10 =	sld [smem:$0x3FB6];
	_ =	sdelay $0x3  }
0x37: {  	[smem:$0x3FB6] =	sst s10  }
0x38: {  	s10 =	sld [smem:$0x3FB7]  }
0x39: {  	_ = 	snop;
	(pc) =	sbr.ind lr, $3  }
0x3a: {  	_ = 	snop  }
0x3b: {  	_ = 	snop  }
0x3c: {  	p2 =	seq.s32 s10, $0x1;
	s10 =	sld [smem:$0x3FB6]  }
0x3d: {  	_ =	shalt  }
0x3e: {  	_ =	shalt  }
0x3f: {  	_ =	shalt  }
0x40: {  	_ =	shalt  }
0x41: {  	_ =	shalt  }
0x42: {  	_ =	shalt  }
0x43: {  	_ =	shalt  }
0x44: {  	_ =	shalt  }
0x45: {  	_ =	shalt  }
0x46: {  	_ =	shalt  }
0x47: {  	_ =	shalt  }
0x48: {  	_ =	shalt  }
0x49: {  	_ =	shalt  }
0x4a: {  	_ =	shalt  }
0x4b: {  	_ =	shalt  }
0x4c: {  	_ =	shalt  }
0x4d: {  	_ =	shalt  }
0x4e: {  	_ =	shalt  }
0x4f: {  	_ =	shalt  }
0x50: {  	_ =	shalt  }
0x51: {  	_ =	shalt  }
0x52: {  	_ =	shalt  }
0x53: {  	_ =	shalt  }
0x54: {  	_ =	shalt  }
0x55: {  	_ =	shalt  }
0x56: {  	_ =	shalt  }
0x57: {  	_ =	shalt  }
0x58: {  	_ =	shalt  }
0x59: {  	_ =	shalt  }
0x5a: {  	_ =	shalt  }
0x5b: {  	_ =	shalt  }
0x5c: {  	_ =	shalt  }
0x5d: {  	_ =	shalt  }
0x5e: {  	_ =	shalt  }
0x5f: {  	_ =	shalt  }
0x60: {  	_ =	shalt  }
0x61: {  	_ =	shalt  }
0x62: {  	_ =	shalt  }
0x63: {  	_ =	shalt  }
0x64: {  	_ =	shalt  }
0x65: {  	_ =	shalt  }
0x66: {  	_ =	shalt  }
0x67: {  	_ =	shalt  }
0x68: {  	_ =	shalt  }
0x69: {  	_ =	shalt  }
0x6a: {  	_ =	shalt  }
0x6b: {  	_ =	shalt  }
0x6c: {  	_ =	shalt  }
0x6d: {  	_ =	shalt  }
0x6e: {  	_ =	shalt  }
0x6f: {  	_ =	shalt  }
0x70: {  	_ =	shalt  }
0x71: {  	_ =	shalt  }
0x72: {  	_ =	shalt  }
0x73: {  	_ =	shalt  }
0x74: {  	_ =	shalt  }
0x75: {  	_ =	shalt  }
0x76: {  	_ =	shalt  }
0x77: {  	_ =	shalt  }
0x78: {  	_ =	shalt  }
0x79: {  	_ =	shalt  }
0x7a: {  	_ =	shalt  }
0x7b: {  	_ =	shalt  }
0x7c: {  	_ =	shalt  }
0x7d: {  	_ =	shalt  }
0x7e: {  	_ =	shalt  }
0x7f: {  	_ =	shalt  }
0x80: {  	_ =	shalt  }
0x81: {  	_ =	shalt  }
0x82: {  	_ =	shalt  }
0x83: {  	_ =	shalt  }
0x84: {  	_ =	shalt  }
0x85: {  	_ =	shalt  }
0x86: {  	_ =	shalt  }
0x87: {  	_ =	shalt  }
.Lfunc_end0:
.L_simem_size_0:
called_computation.1_lowered:
.L_overlay_start_0:
0x88: {  	s2 =	sld [smem:$0x3FD9]  }
0x89: {  	s3 =	sld [smem:$0x3FFE];
	_ =	sdelay $0x1  }
0x8a: {  	s1 =	srdreg.scid  }
0x8b: {  	s0 =	sand.u32 $0x1, s1  }
0x8c: {  	s16 =	sshll.u32 s0, $0xA;
	s2 =	sadd.s32 s3, s2  }
0x8d: {  	s2 =	sadd.s32 s2, s16  }
0x8e: {  	[smem:$0x3FC2] =	sst s2  }
0x8f: {  	_ = 	snop  }
0x90: {  	(tm) =	ssettm $0x1  }
0x91: {  	s17 =	sld [smem:$0x3FFB];
	_ =	sdelay $0x3  }
0x92: {  	_ =	strace s17  }
0x93: {  	s2 =	sld [smem:$0x3FFC];
	_ =	sdelay $0x3  }
0x94: {  	_ =	strace s2  }
0x95: {  	s2 =	sld [smem:$0x3FFD];
	_ =	sdelay $0x3  }
0x96: {  	_ =	strace s2  }
0x97: {  	_ =	strace $0x8FFFFFFF  }
0x98: {  	s18 =	sld [smem:$0x3FDB];
	_ =	sdelay $0x1  }
0x99: {  	s19 =	simm.s32 $_scs_section_size  }
0x9a: {  	s4 =	simm.s32 $_size__tile_overlayer_lowered;
	s5 =	simm.s32 $_tile_overlayer_lowered  }
0x9b: {  	s22 =	simm.s32 $0x1BFF;
	s21 =	sshll.u32 s5, $0x1;
	s2 =	sadd.s32 s19, s18  }
0x9c: {  	s6 =	simm.s32 $0x0;
	s20 =	sshll.u32 s4, $0x1;
	s4 =	sadd.s32 s21, s2  }
0x9d: {  	[timem:s6], [sflag:s22] =	dma.local [hbm:s4], s20  }
0x9e: {  	_ =	swait.ge [sflag:s22], s20  }
0x9f: {  	s3 =	ssub.s32 $0x0, s20;
	[sflag:s22] =	ssyncset.done $0x0  }
0xa0: {  	[sflag:s22] =	ssyncadd.s32 s3;
	_ =	sdelay $0x1  }
0xa1: {  	s23 =	simm.s32 $0x1B8B  }
0xa2: {  	_ =	swait.ge [sflag:s23], $0x1  }
0xa3: {  	[sflag:s23] =	ssyncset.done $0x0  }
0xa4: {  	s25 =	simm.s32 $0x1B8E;
	s24 =	sld [smem:$0x3FFE];
	[sflag:s23] =	ssyncadd.s32 $0xFFFFFFFF  }
0xa5: {  	s26 =	simm.s32 $execute0_lowered;
	[smem:$0x3FD2] =	sst s25  }
0xa6: {  	s4 =	sshll.u32 s26, $0x1;
	_ =	strace $0x80000049;
	[dreg:$0x1] =	wrdreg $0xFFFFFFFF  }
0xa7: {  	s28 =	simm.s32 $_size_execute0_lowered;
	s2 =	sadd.s32 s2, s4;
	[dreg:$0x0] =	wrdreg $0x0  }
0xa8: {  	s4 =	sshll.u32 s28, $0x1;
	[dreg:$0x2] =	wrdreg s2  }
0xa9: {  	[dreg:$0x3] =	wrdreg s4  }
0xaa: {  	[dreg:$0x4] =	wrdreg $0xC0  }
0xab: {  	_ =	task [dreg:s6], $0x5FFFF  }
0xac: {  	[dreg:$0x1] =	wrdreg $0xFFFFFFFF  }
0xad: {  	[dreg:$0x0] =	wrdreg $0x60  }
0xae: {  	[dreg:$0x2] =	wrdreg s24  }
0xaf: {  	[dreg:$0x3] =	wrdreg $0x0  }
0xb0: {  	[dreg:$0x4] =	wrdreg $0x9  }
0xb1: {  	_ =	task.clear_ibuf [dreg:s6], $0x5FFFF;
	_ =	strace $0x90000049  }
0xb2: {  	s29 =	simm.s32 $0x9;
	_ =	strace $0x8000004B  }
0xb3: {  	_ =	swait.ge [sflag:s29], $0x1  }
0xb4: {  	[sflag:s29] =	ssyncadd.s32 $0xFFFFFFFF  }
0xb5: {  	_ =	strace $0x9000004B  }
0xb6: {  	_ =	sfence  }
0xb7: {  	s30 =	sld [smem:$0x0];
	_ =	sdelay $0x2  }
0xb8: {  	s31 =	sshll.u32 s1, $0xD;
	s1 =	sshrl.u32 s1, $0x2  }
0xb9: {  	s3 =	sand.u32 $0x4000, s31;
	s1 =	sadd.s32 s1, s30  }
0xba: {  	s0 =	sor.u32 s3, s0;
	s1 =	sshll.u32 s1, $0x11  }
0xbb: {  	s0 =	sor.u32 s1, s0  }
0xbc: {  	s0 =	sadd.s32 $0x8F2B, s0  }
0xbd: {  	[sflag:s0] =	ssyncadd.remote.s32 $0x1  }
0xbe: {  	_ =	sfence.sel $0xFFFF  }
0xbf: {  	[dreg:$0x0] =	wrdreg $0xFFFFFFFF;
	(pc) =	sbr.abs _section_cstart, $3  }
0xc0: {  	[dreg:$0x1] =	wrdreg $0xFFFFFFFF  }
0xc1: {  	_ =	task.clear_ibuf [dreg:s6], $0x2FFFF;
	_ =	strace $0x9FFFFFFF  }
0xc2: {  	(tm) =	ssettm $0x7FFFFFFF  }
0xc3: {  	_ =	shalt  }
tec
execute0_lowered:
.L_overlay_start_1:
0x0: {  	(tag) =	ssettag $0x1  }
0x1: {  	s4 =	rddreg [dreg:$0x0]  }
0x2: {  	s2 =	rddreg [dreg:$0x1];
	s29 =	simm.s32 $0x0  }
0x3: {  	s21 =	simm.s32 $0xA1F8;
	[smem:$0x7FF] =	sst s29  }
0x4: {  	s22 =	simm.s32 $0xC958;
	_ =	strace $0x8000004A;
	[dreg:$0x7] =	wrdreg s21  }
0x5: {  	s23 =	simm.s32 $0xA3F0;
	[dreg:$0x8] =	wrdreg s22  }
0x6: {  	s0 =	srdreg.scid;
	s24 =	simm.s32 $0xA5E8;
	[dreg:$0x9] =	wrdreg s23  }
0x7: {  	s9 =	stileid.u32;
	s25 =	simm.s32 $0xCB50;
	[dreg:$0xa] =	wrdreg s24  }
0x8: {  	s26 =	simm.s32 $0xCD48;
	s10 =	simm.s32 $0xD138;
	[dreg:$0xb] =	wrdreg s25  }
0x9: {  	s11 =	simm.s32 $0xABD0;
	s13 =	simm.s32 $0xADC8;
	[dreg:$0xc] =	wrdreg s26  }
0xa: {  	s14 =	simm.s32 $0xD330;
	s31 =	simm.s32 $0xA000;
	[dreg:$0x10] =	wrdreg s10  }
0xb: {  	s15 =	simm.s32 $0xD528;
	s16 =	simm.s32 $0xAFC0;
	[dreg:$0x11] =	wrdreg s11  }
0xc: {  	s30 =	simm.s32 $0xC760;
	s17 =	simm.s32 $0xB1B8;
	[dreg:$0x12] =	wrdreg s13  }
0xd: {  	s28 =	simm.s32 $0xDF00;
	p0 =	por $0x0, $0x0;
	[dreg:$0x13] =	wrdreg s14  }
0xe: {  	s0 =	sand.u32 $0x1, s0;
	s1 =	sshll.u32 s9, $0x1;
	[dreg:$0x14] =	wrdreg s15  }
0xf: {  	s5 =	smul.u32 $0xA000, s9;
	s1 =	sor.u32 s0, s1;
	[dreg:$0x15] =	wrdreg s16  }
0x10: {  	s3 =	smul.u32 $0xA0000, s0;
	s0 =	ssub.s32 $0x2, s0;
	[dreg:$0x16] =	wrdreg s17  }
0x11: {  	s21 =	simm.s32 $0xB3B0;
	s22 =	simm.s32 $0xB5A8;
	s23 =	simm.s32 $0xDB10  }
0x12: {  	s24 =	simm.s32 $0xDD08;
	s13 =	simm.s32 $0x1;
	s25 =	simm.s32 $0xB7A0  }
0x13: {  	s26 =	simm.s32 $0xB998;
	s11 =	simm.s32 $0x3;
	[dreg:$0x19] =	wrdreg s21  }
0x14: {  	s10 =	simm.s32 $0x4;
	s17 =	simm.s32 $0xC370;
	[dreg:$0x1a] =	wrdreg s22  }
0x15: {  	s16 =	simm.s32 $0xC568;
	s15 =	simm.s32 $0xEAD0;
	[dreg:$0x1b] =	wrdreg s23  }
0x16: {  	s14 =	simm.s32 $0xECC8;
	s1 =	smul.u32 $0x4EC, s1;
	[dreg:$0x1c] =	wrdreg s24  }
0x17: {  	s18 =	sshrl.u32 s5, $0x3;
	s8 =	sshrl.u32 s0, $0x1;
	[dreg:$0x1d] =	wrdreg s25  }
0x18: {  	s12 =	sadd.s32 s5, s2;
	[dreg:$0x1e] =	wrdreg s26;
	s26 =	simm.s32 $0xE0F8  }
0x19: {  	s25 =	simm.s32 $0xBB90;
	s24 =	simm.s32 $0xBD88;
	s23 =	simm.s32 $0xE2F0  }
0x1a: {  	s22 =	simm.s32 $0xE4E8;
	s21 =	simm.s32 $0xBF80;
	s6 =	sadd.s32 s5, s3  }
0x1b: {  	s3 =	sadd.s32 $0xA7200, s4;
	s0 =	ssub.s32 s0, s8;
	s5 =	simm.s32 $0x1F4  }
0x1c: {  	s8 =	simm.s32 $0xEEC0;
	s1 =	sadd.s32 s1, s4;
	s19 =	sadd.s32 s3, s18  }
0x1d: {  	s6 =	sshrl.u32 s6, $0x3;
	s18 =	simm.s32 $0xD720;
	[dreg:$0x5] =	wrdreg s19  }
0x1e: {  	s0 =	smax.u32 s0, $0x1;
	s7 =	sadd.s32 $0x25400, s1;
	[dreg:$0x17] =	wrdreg s18  }
0x1f: {  	s1 =	sadd.s32 $0x1B600, s1;
	s4 =	sadd.s32 s6, s4;
	[dreg:$0x3] =	wrdreg s7  }
0x20: {  	s6 =	simm.s32 $0xA9D8;
	s19 =	simm.s32 $0xD918;
	[dreg:$0x4] =	wrdreg s1  }
0x21: {  	p1 =	sne.s32 s0, $0x1;
	s18 =	simm.s32 $0xE8D8;
	[dreg:$0xe] =	wrdreg s6  }
0x22: {  	s20 =	sadd.s32 $0xBB200, s4;
	s4 =	simm.s32 $0xA7E0;
	[dreg:$0x18] =	wrdreg s19  }
.Ltmp0:
0x23: {  	s7 =	simm.s32 $0xCF40;
	[dreg:$0x6] =	wrdreg s20;
	(pc) =	sbr.rel @!p1 .LBB2_3-.Ltmp0, $4  }
0x24: {  	s19 =	simm.s32 $0xC178;
	s1 =	sadd.s32 $0xFFFFFFFF, s0;
	[dreg:$0xd] =	wrdreg s4  }
0x25: {  	[dreg:$0xf] =	wrdreg s7;
	s4 =	simm.s32 $0x5;
	s20 =	sshll.u32 s9, $0x6  }
0x26: {  	s7 =	sshrl.u32 s12, $0x3;
	s9 =	simm.s32 $0x16BC0;
	s12 =	simm.s32 $0x2  }
0x27: {  	s0 =	rddreg [dreg:$0x3];
	s6 =	sor.u32 $0x1C05, s20;
	s20 =	simm.s32 $0xE6E0  }
0x28: {  	[tilespmem:s31], [sflag:$0x5] =	stream.linear.gather [hbm4b:s0+s29], $0x2760, $0x38;
	[tilespmem:$0x1E8C0] =	vst v63  }
0x29: {  	_ =	swait.ge [sflag:s4], $0x2760  }
0x2a: {  	[sflag:s4] =	ssyncset.done $0x0  }
0x2b: {  	s0 =	rddreg [dreg:$0x4];
	[sflag:s4] =	ssyncadd.s32 $0xFFFFD8A0  }
0x2c: {  	[tilespmem:s30], [sflag:$0x5] =	stream.linear.gather [hbm4b:s0+s29], $0x2760, $0x38;
	[tilespmem:$0x1E8C0] =	vst v63  }
0x2d: {  	_ =	swait.ge [sflag:s4], $0x2760  }
0x2e: {  	[sflag:s4] =	ssyncset.done $0x0  }
0x2f: {  	s0 =	rddreg [dreg:$0x5];
	[sflag:s4] =	ssyncadd.s32 $0xFFFFD8A0  }
0x30: {  	[tilespmem:s8], [sflag:$0x1] =	stream.indirect.gather [hbm4b:s3+s5], $0x40, s31, s5, $0xb8;
	[tilespmem:$0x1E8C0] =	vst v63  }
0x31: {  	[spmem:s7], [sflag:s6] =	dma.local [hbm:s0], $0x1400  }
0x32: {  	_ =	swait.ge [sflag:s4], $0x1400  }
0x33: {  	[sflag:s4] =	ssyncset.done $0x0  }
0x34: {  	[sflag:s4] =	ssyncadd.s32 $0xFFFFEC00  }
0x35: {  	[bflag:$0x0] =	sbarrier.arrive $0xFFFF  }
0x36: {  	s0 =	rddreg [dreg:$0x7]  }
0x37: {  	[tilespmem:s9], [sflag:$0x2] =	stream.indirect.gather [hbm4b:s3+s5], $0x40, s0, s5, $0xb8;
	[tilespmem:$0x1E8C0] =	vst v63  }
0x38: {  	_ =	swait.ge [sflag:s13], $0x7D00  }
0x39: {  	[sflag:s13] =	ssyncset.done $0x0  }
0x3a: {  	[sflag:s13] =	ssyncadd.s32 $0xFFFF8300  }
0x3b: {  	[spmem:s2] =	stream.indirect.scatter.add.f32 [tilespmem:s8], [sflag:$0x3], $0x40, s30, s5, $0xb8;
	[tilespmem:$0x1E8C0] =	vst v63  }
0x3c: {  	_ =	swait.ge [sflag:s12], $0x7D00  }
0x3d: {  	[sflag:s12] =	ssyncset.done $0x0  }
0x3e: {  	s0 =	rddreg [dreg:$0x8];
	[sflag:s12] =	ssyncadd.s32 $0xFFFF8300  }
0x3f: {  	[spmem:s2] =	stream.indirect.scatter.add.f32 [tilespmem:s9], [sflag:$0x4], $0x40, s0, s5, $0xb8;
	[tilespmem:$0x1E8C0] =	vst v63  }
0x40: {  	_ =	swait.ge [sflag:s11], $0x7D00  }
0x41: {  	[sflag:s11] =	ssyncset.done $0x0  }
0x42: {  	s0 =	rddreg [dreg:$0x9];
	[sflag:s11] =	ssyncadd.s32 $0xFFFF8300  }
0x43: {  	[tilespmem:s8], [sflag:$0x1] =	stream.indirect.gather [hbm4b:s3+s5], $0x40, s0, s5, $0xb8;
	[tilespmem:$0x1E8C0] =	vst v63  }
0x44: {  	_ =	swait.ge [sflag:s10], $0x7D00  }
0x45: {  	[sflag:s10] =	ssyncset.done $0x0  }
0x46: {  	s0 =	rddreg [dreg:$0xa];
	[sflag:s10] =	ssyncadd.s32 $0xFFFF8300  }
0x47: {  	[tilespmem:s9], [sflag:$0x2] =	stream.indirect.gather [hbm4b:s3+s5], $0x40, s0, s5, $0xb8;
	[tilespmem:$0x1E8C0] =	vst v63  }
0x48: {  	_ =	swait.ge [sflag:s13], $0x7D00  }
0x49: {  	[sflag:s13] =	ssyncset.done $0x0  }
0x4a: {  	s0 =	rddreg [dreg:$0xb];
	[sflag:s13] =	ssyncadd.s32 $0xFFFF8300  }
0x4b: {  	[spmem:s2] =	stream.indirect.scatter.add.f32 [tilespmem:s8], [sflag:$0x3], $0x40, s0, s5, $0xb8;
	[tilespmem:$0x1E8C0] =	vst v63  }
0x4c: {  	_ =	swait.ge [sflag:s12], $0x7D00  }
0x4d: {  	[sflag:s12] =	ssyncset.done $0x0  }
0x4e: {  	s0 =	rddreg [dreg:$0xc];
	[sflag:s12] =	ssyncadd.s32 $0xFFFF8300  }
0x4f: {  	[spmem:s2] =	stream.indirect.scatter.add.f32 [tilespmem:s9], [sflag:$0x4], $0x40, s0, s5, $0xb8;
	[tilespmem:$0x1E8C0] =	vst v63  }
0x50: {  	_ =	swait.ge [sflag:s11], $0x7D00  }
0x51: {  	[sflag:s11] =	ssyncset.done $0x0  }
0x52: {  	s0 =	rddreg [dreg:$0xd];
	[sflag:s11] =	ssyncadd.s32 $0xFFFF8300  }
0x53: {  	[tilespmem:s8], [sflag:$0x1] =	stream.indirect.gather [hbm4b:s3+s5], $0x40, s0, s5, $0xb8;
	[tilespmem:$0x1E8C0] =	vst v63  }
0x54: {  	_ =	swait.ge [sflag:s10], $0x7D00  }
0x55: {  	[sflag:s10] =	ssyncset.done $0x0  }
0x56: {  	s0 =	rddreg [dreg:$0xe];
	[sflag:s10] =	ssyncadd.s32 $0xFFFF8300  }
0x57: {  	[tilespmem:s9], [sflag:$0x2] =	stream.indirect.gather [hbm4b:s3+s5], $0x40, s0, s5, $0xb8;
	[tilespmem:$0x1E8C0] =	vst v63  }
0x58: {  	_ =	swait.ge [sflag:s13], $0x7D00  }
0x59: {  	[sflag:s13] =	ssyncset.done $0x0  }
0x5a: {  	s0 =	rddreg [dreg:$0xf];
	[sflag:s13] =	ssyncadd.s32 $0xFFFF8300  }
0x5b: {  	[spmem:s2] =	stream.indirect.scatter.add.f32 [tilespmem:s8], [sflag:$0x3], $0x40, s0, s5, $0xb8;
	[tilespmem:$0x1E8C0] =	vst v63  }
0x5c: {  	_ =	swait.ge [sflag:s12], $0x7D00  }
0x5d: {  	[sflag:s12] =	ssyncset.done $0x0  }
0x5e: {  	s0 =	rddreg [dreg:$0x10];
	[sflag:s12] =	ssyncadd.s32 $0xFFFF8300  }
0x5f: {  	[spmem:s2] =	stream.indirect.scatter.add.f32 [tilespmem:s9], [sflag:$0x4], $0x40, s0, s5, $0xb8;
	[tilespmem:$0x1E8C0] =	vst v63  }
0x60: {  	_ =	swait.ge [sflag:s11], $0x7D00  }
0x61: {  	[sflag:s11] =	ssyncset.done $0x0  }
0x62: {  	s0 =	rddreg [dreg:$0x11];
	[sflag:s11] =	ssyncadd.s32 $0xFFFF8300  }
0x63: {  	[tilespmem:s8], [sflag:$0x1] =	stream.indirect.gather [hbm4b:s3+s5], $0x40, s0, s5, $0xb8;
	[tilespmem:$0x1E8C0] =	vst v63  }
0x64: {  	_ =	swait.ge [sflag:s10], $0x7D00  }
0x65: {  	[sflag:s10] =	ssyncset.done $0x0  }
0x66: {  	s0 =	rddreg [dreg:$0x12];
	[sflag:s10] =	ssyncadd.s32 $0xFFFF8300  }
0x67: {  	[tilespmem:s9], [sflag:$0x2] =	stream.indirect.gather [hbm4b:s3+s5], $0x40, s0, s5, $0xb8;
	[tilespmem:$0x1E8C0] =	vst v63  }
0x68: {  	_ =	swait.ge [sflag:s13], $0x7D00  }
0x69: {  	[sflag:s13] =	ssyncset.done $0x0  }
0x6a: {  	s0 =	rddreg [dreg:$0x13];
	[sflag:s13] =	ssyncadd.s32 $0xFFFF8300  }
0x6b: {  	[spmem:s2] =	stream.indirect.scatter.add.f32 [tilespmem:s8], [sflag:$0x3], $0x40, s0, s5, $0xb8;
	[tilespmem:$0x1E8C0] =	vst v63  }
0x6c: {  	_ =	swait.ge [sflag:s12], $0x7D00  }
0x6d: {  	[sflag:s12] =	ssyncset.done $0x0  }
0x6e: {  	s0 =	rddreg [dreg:$0x14];
	[sflag:s12] =	ssyncadd.s32 $0xFFFF8300  }
0x6f: {  	[spmem:s2] =	stream.indirect.scatter.add.f32 [tilespmem:s9], [sflag:$0x4], $0x40, s0, s5, $0xb8;
	[tilespmem:$0x1E8C0] =	vst v63  }
0x70: {  	_ =	swait.ge [sflag:s11], $0x7D00  }
0x71: {  	[sflag:s11] =	ssyncset.done $0x0  }
0x72: {  	s0 =	rddreg [dreg:$0x15];
	[sflag:s11] =	ssyncadd.s32 $0xFFFF8300  }
0x73: {  	[tilespmem:s8], [sflag:$0x1] =	stream.indirect.gather [hbm4b:s3+s5], $0x40, s0, s5, $0xb8;
	[tilespmem:$0x1E8C0] =	vst v63  }
0x74: {  	_ =	swait.ge [sflag:s10], $0x7D00  }
0x75: {  	[sflag:s10] =	ssyncset.done $0x0  }
0x76: {  	s0 =	rddreg [dreg:$0x16];
	[sflag:s10] =	ssyncadd.s32 $0xFFFF8300  }
0x77: {  	[tilespmem:s9], [sflag:$0x2] =	stream.indirect.gather [hbm4b:s3+s5], $0x40, s0, s5, $0xb8;
	[tilespmem:$0x1E8C0] =	vst v63  }
0x78: {  	_ =	swait.ge [sflag:s13], $0x7D00  }
0x79: {  	[sflag:s13] =	ssyncset.done $0x0  }
0x7a: {  	s0 =	rddreg [dreg:$0x17];
	[sflag:s13] =	ssyncadd.s32 $0xFFFF8300  }
0x7b: {  	[spmem:s2] =	stream.indirect.scatter.add.f32 [tilespmem:s8], [sflag:$0x3], $0x40, s0, s5, $0xb8;
	[tilespmem:$0x1E8C0] =	vst v63  }
0x7c: {  	_ =	swait.ge [sflag:s12], $0x7D00  }
0x7d: {  	[sflag:s12] =	ssyncset.done $0x0  }
0x7e: {  	s0 =	rddreg [dreg:$0x18];
	[sflag:s12] =	ssyncadd.s32 $0xFFFF8300  }
0x7f: {  	[spmem:s2] =	stream.indirect.scatter.add.f32 [tilespmem:s9], [sflag:$0x4], $0x40, s0, s5, $0xb8;
	[tilespmem:$0x1E8C0] =	vst v63  }
0x80: {  	_ =	swait.ge [sflag:s11], $0x7D00  }
0x81: {  	[sflag:s11] =	ssyncset.done $0x0  }
0x82: {  	s0 =	rddreg [dreg:$0x19];
	[sflag:s11] =	ssyncadd.s32 $0xFFFF8300  }
0x83: {  	[tilespmem:s8], [sflag:$0x1] =	stream.indirect.gather [hbm4b:s3+s5], $0x40, s0, s5, $0xb8;
	[tilespmem:$0x1E8C0] =	vst v63  }
0x84: {  	_ =	swait.ge [sflag:s10], $0x7D00  }
0x85: {  	[sflag:s10] =	ssyncset.done $0x0  }
0x86: {  	s0 =	rddreg [dreg:$0x1a];
	[sflag:s10] =	ssyncadd.s32 $0xFFFF8300  }
0x87: {  	[tilespmem:s9], [sflag:$0x2] =	stream.indirect.gather [hbm4b:s3+s5], $0x40, s0, s5, $0xb8;
	[tilespmem:$0x1E8C0] =	vst v63  }
0x88: {  	_ =	swait.ge [sflag:s13], $0x7D00  }
0x89: {  	[sflag:s13] =	ssyncset.done $0x0  }
0x8a: {  	s0 =	rddreg [dreg:$0x1b];
	[sflag:s13] =	ssyncadd.s32 $0xFFFF8300  }
0x8b: {  	[spmem:s2] =	stream.indirect.scatter.add.f32 [tilespmem:s8], [sflag:$0x3], $0x40, s0, s5, $0xb8;
	[tilespmem:$0x1E8C0] =	vst v63  }
0x8c: {  	_ =	swait.ge [sflag:s12], $0x7D00  }
0x8d: {  	[sflag:s12] =	ssyncset.done $0x0  }
0x8e: {  	s0 =	rddreg [dreg:$0x1c];
	[sflag:s12] =	ssyncadd.s32 $0xFFFF8300  }
0x8f: {  	[spmem:s2] =	stream.indirect.scatter.add.f32 [tilespmem:s9], [sflag:$0x4], $0x40, s0, s5, $0xb8;
	[tilespmem:$0x1E8C0] =	vst v63  }
0x90: {  	_ =	swait.ge [sflag:s11], $0x7D00  }
0x91: {  	[sflag:s11] =	ssyncset.done $0x0  }
0x92: {  	s0 =	rddreg [dreg:$0x1d];
	[sflag:s11] =	ssyncadd.s32 $0xFFFF8300  }
0x93: {  	[tilespmem:s8], [sflag:$0x1] =	stream.indirect.gather [hbm4b:s3+s5], $0x40, s0, s5, $0xb8;
	[tilespmem:$0x1E8C0] =	vst v63  }
0x94: {  	_ =	swait.ge [sflag:s10], $0x7D00  }
0x95: {  	[sflag:s10] =	ssyncset.done $0x0  }
0x96: {  	s0 =	rddreg [dreg:$0x1e];
	[sflag:s10] =	ssyncadd.s32 $0xFFFF8300  }
0x97: {  	[tilespmem:s9], [sflag:$0x2] =	stream.indirect.gather [hbm4b:s3+s5], $0x40, s0, s5, $0xb8;
	[tilespmem:$0x1E8C0] =	vst v63  }
0x98: {  	_ =	swait.ge [sflag:s13], $0x7D00  }
0x99: {  	[sflag:s13] =	ssyncset.done $0x0  }
0x9a: {  	[sflag:s13] =	ssyncadd.s32 $0xFFFF8300  }
0x9b: {  	[spmem:s2] =	stream.indirect.scatter.add.f32 [tilespmem:s8], [sflag:$0x3], $0x40, s28, s5, $0xb8;
	[tilespmem:$0x1E8C0] =	vst v63  }
0x9c: {  	_ =	swait.ge [sflag:s12], $0x7D00  }
0x9d: {  	[sflag:s12] =	ssyncset.done $0x0  }
0x9e: {  	[sflag:s12] =	ssyncadd.s32 $0xFFFF8300  }
0x9f: {  	[spmem:s2] =	stream.indirect.scatter.add.f32 [tilespmem:s9], [sflag:$0x4], $0x40, s26, s5, $0xb8;
	[tilespmem:$0x1E8C0] =	vst v63  }
0xa0: {  	_ =	swait.ge [sflag:s11], $0x7D00  }
0xa1: {  	[sflag:s11] =	ssyncset.done $0x0  }
0xa2: {  	[sflag:s11] =	ssyncadd.s32 $0xFFFF8300  }
0xa3: {  	[tilespmem:s8], [sflag:$0x1] =	stream.indirect.gather [hbm4b:s3+s5], $0x40, s25, s5, $0xb8;
	[tilespmem:$0x1E8C0] =	vst v63  }
0xa4: {  	_ =	swait.ge [sflag:s10], $0x7D00  }
0xa5: {  	[sflag:s10] =	ssyncset.done $0x0  }
0xa6: {  	[sflag:s10] =	ssyncadd.s32 $0xFFFF8300  }
0xa7: {  	[tilespmem:s9], [sflag:$0x2] =	stream.indirect.gather [hbm4b:s3+s5], $0x40, s24, s5, $0xb8;
	[tilespmem:$0x1E8C0] =	vst v63  }
0xa8: {  	_ =	swait.ge [sflag:s13], $0x7D00  }
0xa9: {  	[sflag:s13] =	ssyncset.done $0x0  }
0xaa: {  	[sflag:s13] =	ssyncadd.s32 $0xFFFF8300  }
0xab: {  	[spmem:s2] =	stream.indirect.scatter.add.f32 [tilespmem:s8], [sflag:$0x3], $0x40, s23, s5, $0xb8;
	[tilespmem:$0x1E8C0] =	vst v63  }
0xac: {  	_ =	swait.ge [sflag:s12], $0x7D00  }
0xad: {  	[sflag:s12] =	ssyncset.done $0x0  }
0xae: {  	[sflag:s12] =	ssyncadd.s32 $0xFFFF8300  }
0xaf: {  	[spmem:s2] =	stream.indirect.scatter.add.f32 [tilespmem:s9], [sflag:$0x4], $0x40, s22, s5, $0xb8;
	[tilespmem:$0x1E8C0] =	vst v63  }
0xb0: {  	_ =	swait.ge [sflag:s11], $0x7D00  }
0xb1: {  	[sflag:s11] =	ssyncset.done $0x0  }
0xb2: {  	[sflag:s11] =	ssyncadd.s32 $0xFFFF8300  }
0xb3: {  	[tilespmem:s8], [sflag:$0x1] =	stream.indirect.gather [hbm4b:s3+s5], $0x40, s21, s5, $0xb8;
	[tilespmem:$0x1E8C0] =	vst v63  }
0xb4: {  	_ =	swait.ge [sflag:s10], $0x7D00  }
0xb5: {  	[sflag:s10] =	ssyncset.done $0x0  }
0xb6: {  	[sflag:s10] =	ssyncadd.s32 $0xFFFF8300  }
0xb7: {  	[tilespmem:s9], [sflag:$0x2] =	stream.indirect.gather [hbm4b:s3+s5], $0x40, s19, s5, $0xb8;
	[tilespmem:$0x1E8C0] =	vst v63  }
0xb8: {  	_ =	swait.ge [sflag:s13], $0x7D00  }
0xb9: {  	[sflag:s13] =	ssyncset.done $0x0  }
0xba: {  	[sflag:s13] =	ssyncadd.s32 $0xFFFF8300  }
0xbb: {  	[spmem:s2] =	stream.indirect.scatter.add.f32 [tilespmem:s8], [sflag:$0x3], $0x40, s20, s5, $0xb8;
	[tilespmem:$0x1E8C0] =	vst v63  }
0xbc: {  	_ =	swait.ge [sflag:s12], $0x7D00  }
0xbd: {  	[sflag:s12] =	ssyncset.done $0x0  }
0xbe: {  	[sflag:s12] =	ssyncadd.s32 $0xFFFF8300  }
0xbf: {  	[spmem:s2] =	stream.indirect.scatter.add.f32 [tilespmem:s9], [sflag:$0x4], $0x40, s18, s5, $0xb8;
	[tilespmem:$0x1E8C0] =	vst v63  }
0xc0: {  	_ =	swait.ge [sflag:s11], $0x7D00  }
0xc1: {  	[sflag:s11] =	ssyncset.done $0x0  }
0xc2: {  	[sflag:s11] =	ssyncadd.s32 $0xFFFF8300  }
0xc3: {  	[tilespmem:s8], [sflag:$0x1] =	stream.indirect.gather [hbm4b:s3+s5], $0x40, s17, s5, $0xb8;
	[tilespmem:$0x1E8C0] =	vst v63  }
0xc4: {  	_ =	swait.ge [sflag:s10], $0x7D00  }
0xc5: {  	[sflag:s10] =	ssyncset.done $0x0  }
0xc6: {  	[sflag:s10] =	ssyncadd.s32 $0xFFFF8300  }
0xc7: {  	[tilespmem:s9], [sflag:$0x2] =	stream.indirect.gather [hbm4b:s3+s5], $0x40, s16, s5, $0xb8;
	[tilespmem:$0x1E8C0] =	vst v63  }
0xc8: {  	_ =	swait.ge [sflag:s13], $0x7D00  }
0xc9: {  	[sflag:s13] =	ssyncset.done $0x0  }
0xca: {  	[sflag:s13] =	ssyncadd.s32 $0xFFFF8300  }
0xcb: {  	[spmem:s2] =	stream.indirect.scatter.add.f32 [tilespmem:s8], [sflag:$0x3], $0x40, s15, s5, $0xb8;
	[tilespmem:$0x1E8C0] =	vst v63  }
0xcc: {  	_ =	swait.ge [sflag:s12], $0x7D00  }
0xcd: {  	[sflag:s12] =	ssyncset.done $0x0  }
0xce: {  	[sflag:s12] =	ssyncadd.s32 $0xFFFF8300  }
0xcf: {  	[spmem:s2] =	stream.indirect.scatter.add.f32 [tilespmem:s9], [sflag:$0x4], $0x40, s14, s5, $0xb8;
	[tilespmem:$0x1E8C0] =	vst v63  }
0xd0: {  	_ =	swait.ge [sflag:s11], $0x7D00  }
0xd1: {  	[sflag:s11] =	ssyncset.done $0x0  }
0xd2: {  	[sflag:s11] =	ssyncadd.s32 $0xFFFF8300  }
0xd3: {  	_ =	swait.ge [sflag:s10], $0x7D00  }
0xd4: {  	[sflag:s10] =	ssyncset.done $0x0  }
0xd5: {  	p1 =	sne.s32 s1, $0x1;
	[sflag:s10] =	ssyncadd.s32 $0xFFFF8300  }
.Ltmp1:
0xd6: {  	[bflag:$0x0] =	sbarrier.arrive $0xFFFF;
	(pc) =	sbr.rel @!p1 .LBB2_3-.Ltmp1, $4  }
0xd7: {  	s0 =	rddreg [dreg:$0x6]  }
0xd8: {  	[hbm:s0], [sflag:s6] =	dma.local [spmem:s7], $0x1400  }
0xd9: {  	s1 =	sadd.s32 $0xFFFFFFFF, s1;
	_ =	swait.ge [sflag:s4], $0x1400  }
0xda: {  	p0 =	por $0x1, $0x1;
	s0 =	rddreg [dreg:$0x3];
	[sflag:s4] =	ssyncset.done $0x0  }
.LBB2_2:
0xdb: {  	[sflag:s4] =	ssyncadd.s32 $0xFFFFEC00  }
0xdc: {  	[tilespmem:s31], [sflag:$0x5] =	stream.linear.gather [hbm4b:s0+s29], $0x2760, $0x38;
	[tilespmem:$0x1E8C0] =	vst v63  }
0xdd: {  	_ =	swait.ge [sflag:s4], $0x2760  }
0xde: {  	[sflag:s4] =	ssyncset.done $0x0  }
0xdf: {  	s0 =	rddreg [dreg:$0x4];
	[sflag:s4] =	ssyncadd.s32 $0xFFFFD8A0  }
0xe0: {  	[tilespmem:s30], [sflag:$0x5] =	stream.linear.gather [hbm4b:s0+s29], $0x2760, $0x38;
	[tilespmem:$0x1E8C0] =	vst v63  }
0xe1: {  	_ =	swait.ge [sflag:s4], $0x2760  }
0xe2: {  	[sflag:s4] =	ssyncset.done $0x0  }
0xe3: {  	s0 =	rddreg [dreg:$0x5];
	[sflag:s4] =	ssyncadd.s32 $0xFFFFD8A0  }
0xe4: {  	[tilespmem:s8], [sflag:$0x1] =	stream.indirect.gather [hbm4b:s3+s5], $0x40, s31, s5, $0xb8;
	[tilespmem:$0x1E8C0] =	vst v63  }
0xe5: {  	[spmem:s7], [sflag:s6] =	dma.local [hbm:s0], $0x1400  }
0xe6: {  	_ =	swait.ge [sflag:s4], $0x1400  }
0xe7: {  	[sflag:s4] =	ssyncset.done $0x0  }
0xe8: {  	[sflag:s4] =	ssyncadd.s32 $0xFFFFEC00  }
0xe9: {  	[bflag:$0x0] =	sbarrier.arrive $0xFFFF  }
0xea: {  	s0 =	rddreg [dreg:$0x7]  }
0xeb: {  	[tilespmem:s9], [sflag:$0x2] =	stream.indirect.gather [hbm4b:s3+s5], $0x40, s0, s5, $0xb8;
	[tilespmem:$0x1E8C0] =	vst v63  }
0xec: {  	_ =	swait.ge [sflag:s13], $0x7D00  }
0xed: {  	[sflag:s13] =	ssyncset.done $0x0  }
0xee: {  	[sflag:s13] =	ssyncadd.s32 $0xFFFF8300  }
0xef: {  	[spmem:s2] =	stream.indirect.scatter.add.f32 [tilespmem:s8], [sflag:$0x3], $0x40, s30, s5, $0xb8;
	[tilespmem:$0x1E8C0] =	vst v63  }
0xf0: {  	_ =	swait.ge [sflag:s12], $0x7D00  }
0xf1: {  	[sflag:s12] =	ssyncset.done $0x0  }
0xf2: {  	s0 =	rddreg [dreg:$0x8];
	[sflag:s12] =	ssyncadd.s32 $0xFFFF8300  }
0xf3: {  	[spmem:s2] =	stream.indirect.scatter.add.f32 [tilespmem:s9], [sflag:$0x4], $0x40, s0, s5, $0xb8;
	[tilespmem:$0x1E8C0] =	vst v63  }
0xf4: {  	_ =	swait.ge [sflag:s11], $0x7D00  }
0xf5: {  	[sflag:s11] =	ssyncset.done $0x0  }
0xf6: {  	s0 =	rddreg [dreg:$0x9];
	[sflag:s11] =	ssyncadd.s32 $0xFFFF8300  }
0xf7: {  	[tilespmem:s8], [sflag:$0x1] =	stream.indirect.gather [hbm4b:s3+s5], $0x40, s0, s5, $0xb8;
	[tilespmem:$0x1E8C0] =	vst v63  }
0xf8: {  	_ =	swait.ge [sflag:s10], $0x7D00  }
0xf9: {  	[sflag:s10] =	ssyncset.done $0x0  }
0xfa: {  	s0 =	rddreg [dreg:$0xa];
	[sflag:s10] =	ssyncadd.s32 $0xFFFF8300  }
0xfb: {  	[tilespmem:s9], [sflag:$0x2] =	stream.indirect.gather [hbm4b:s3+s5], $0x40, s0, s5, $0xb8;
	[tilespmem:$0x1E8C0] =	vst v63  }
0xfc: {  	_ =	swait.ge [sflag:s13], $0x7D00  }
0xfd: {  	[sflag:s13] =	ssyncset.done $0x0  }
0xfe: {  	s0 =	rddreg [dreg:$0xb];
	[sflag:s13] =	ssyncadd.s32 $0xFFFF8300  }
0xff: {  	[spmem:s2] =	stream.indirect.scatter.add.f32 [tilespmem:s8], [sflag:$0x3], $0x40, s0, s5, $0xb8;
	[tilespmem:$0x1E8C0] =	vst v63  }
0x100: {  	_ =	swait.ge [sflag:s12], $0x7D00  }
0x101: {  	[sflag:s12] =	ssyncset.done $0x0  }
0x102: {  	s0 =	rddreg [dreg:$0xc];
	[sflag:s12] =	ssyncadd.s32 $0xFFFF8300  }
0x103: {  	[spmem:s2] =	stream.indirect.scatter.add.f32 [tilespmem:s9], [sflag:$0x4], $0x40, s0, s5, $0xb8;
	[tilespmem:$0x1E8C0] =	vst v63  }
0x104: {  	_ =	swait.ge [sflag:s11], $0x7D00  }
0x105: {  	[sflag:s11] =	ssyncset.done $0x0  }
0x106: {  	s0 =	rddreg [dreg:$0xd];
	[sflag:s11] =	ssyncadd.s32 $0xFFFF8300  }
0x107: {  	[tilespmem:s8], [sflag:$0x1] =	stream.indirect.gather [hbm4b:s3+s5], $0x40, s0, s5, $0xb8;
	[tilespmem:$0x1E8C0] =	vst v63  }
0x108: {  	_ =	swait.ge [sflag:s10], $0x7D00  }
0x109: {  	[sflag:s10] =	ssyncset.done $0x0  }
0x10a: {  	s0 =	rddreg [dreg:$0xe];
	[sflag:s10] =	ssyncadd.s32 $0xFFFF8300  }
0x10b: {  	[tilespmem:s9], [sflag:$0x2] =	stream.indirect.gather [hbm4b:s3+s5], $0x40, s0, s5, $0xb8;
	[tilespmem:$0x1E8C0] =	vst v63  }
0x10c: {  	_ =	swait.ge [sflag:s13], $0x7D00  }
0x10d: {  	[sflag:s13] =	ssyncset.done $0x0  }
0x10e: {  	s0 =	rddreg [dreg:$0xf];
	[sflag:s13] =	ssyncadd.s32 $0xFFFF8300  }
0x10f: {  	[spmem:s2] =	stream.indirect.scatter.add.f32 [tilespmem:s8], [sflag:$0x3], $0x40, s0, s5, $0xb8;
	[tilespmem:$0x1E8C0] =	vst v63  }
0x110: {  	_ =	swait.ge [sflag:s12], $0x7D00  }
0x111: {  	[sflag:s12] =	ssyncset.done $0x0  }
0x112: {  	s0 =	rddreg [dreg:$0x10];
	[sflag:s12] =	ssyncadd.s32 $0xFFFF8300  }
0x113: {  	[spmem:s2] =	stream.indirect.scatter.add.f32 [tilespmem:s9], [sflag:$0x4], $0x40, s0, s5, $0xb8;
	[tilespmem:$0x1E8C0] =	vst v63  }
0x114: {  	_ =	swait.ge [sflag:s11], $0x7D00  }
0x115: {  	[sflag:s11] =	ssyncset.done $0x0  }
0x116: {  	s0 =	rddreg [dreg:$0x11];
	[sflag:s11] =	ssyncadd.s32 $0xFFFF8300  }
0x117: {  	[tilespmem:s8], [sflag:$0x1] =	stream.indirect.gather [hbm4b:s3+s5], $0x40, s0, s5, $0xb8;
	[tilespmem:$0x1E8C0] =	vst v63  }
0x118: {  	_ =	swait.ge [sflag:s10], $0x7D00  }
0x119: {  	[sflag:s10] =	ssyncset.done $0x0  }
0x11a: {  	s0 =	rddreg [dreg:$0x12];
	[sflag:s10] =	ssyncadd.s32 $0xFFFF8300  }
0x11b: {  	[tilespmem:s9], [sflag:$0x2] =	stream.indirect.gather [hbm4b:s3+s5], $0x40, s0, s5, $0xb8;
	[tilespmem:$0x1E8C0] =	vst v63  }
0x11c: {  	_ =	swait.ge [sflag:s13], $0x7D00  }
0x11d: {  	[sflag:s13] =	ssyncset.done $0x0  }
0x11e: {  	s0 =	rddreg [dreg:$0x13];
	[sflag:s13] =	ssyncadd.s32 $0xFFFF8300  }
0x11f: {  	[spmem:s2] =	stream.indirect.scatter.add.f32 [tilespmem:s8], [sflag:$0x3], $0x40, s0, s5, $0xb8;
	[tilespmem:$0x1E8C0] =	vst v63  }
0x120: {  	_ =	swait.ge [sflag:s12], $0x7D00  }
0x121: {  	[sflag:s12] =	ssyncset.done $0x0  }
0x122: {  	s0 =	rddreg [dreg:$0x14];
	[sflag:s12] =	ssyncadd.s32 $0xFFFF8300  }
0x123: {  	[spmem:s2] =	stream.indirect.scatter.add.f32 [tilespmem:s9], [sflag:$0x4], $0x40, s0, s5, $0xb8;
	[tilespmem:$0x1E8C0] =	vst v63  }
0x124: {  	_ =	swait.ge [sflag:s11], $0x7D00  }
0x125: {  	[sflag:s11] =	ssyncset.done $0x0  }
0x126: {  	s0 =	rddreg [dreg:$0x15];
	[sflag:s11] =	ssyncadd.s32 $0xFFFF8300  }
0x127: {  	[tilespmem:s8], [sflag:$0x1] =	stream.indirect.gather [hbm4b:s3+s5], $0x40, s0, s5, $0xb8;
	[tilespmem:$0x1E8C0] =	vst v63  }
0x128: {  	_ =	swait.ge [sflag:s10], $0x7D00  }
0x129: {  	[sflag:s10] =	ssyncset.done $0x0  }
0x12a: {  	s0 =	rddreg [dreg:$0x16];
	[sflag:s10] =	ssyncadd.s32 $0xFFFF8300  }
0x12b: {  	[tilespmem:s9], [sflag:$0x2] =	stream.indirect.gather [hbm4b:s3+s5], $0x40, s0, s5, $0xb8;
	[tilespmem:$0x1E8C0] =	vst v63  }
0x12c: {  	_ =	swait.ge [sflag:s13], $0x7D00  }
0x12d: {  	[sflag:s13] =	ssyncset.done $0x0  }
0x12e: {  	s0 =	rddreg [dreg:$0x17];
	[sflag:s13] =	ssyncadd.s32 $0xFFFF8300  }
0x12f: {  	[spmem:s2] =	stream.indirect.scatter.add.f32 [tilespmem:s8], [sflag:$0x3], $0x40, s0, s5, $0xb8;
	[tilespmem:$0x1E8C0] =	vst v63  }
0x130: {  	_ =	swait.ge [sflag:s12], $0x7D00  }
0x131: {  	[sflag:s12] =	ssyncset.done $0x0  }
0x132: {  	s0 =	rddreg [dreg:$0x18];
	[sflag:s12] =	ssyncadd.s32 $0xFFFF8300  }
0x133: {  	[spmem:s2] =	stream.indirect.scatter.add.f32 [tilespmem:s9], [sflag:$0x4], $0x40, s0, s5, $0xb8;
	[tilespmem:$0x1E8C0] =	vst v63  }
0x134: {  	_ =	swait.ge [sflag:s11], $0x7D00  }
0x135: {  	[sflag:s11] =	ssyncset.done $0x0  }
0x136: {  	s0 =	rddreg [dreg:$0x19];
	[sflag:s11] =	ssyncadd.s32 $0xFFFF8300  }
0x137: {  	[tilespmem:s8], [sflag:$0x1] =	stream.indirect.gather [hbm4b:s3+s5], $0x40, s0, s5, $0xb8;
	[tilespmem:$0x1E8C0] =	vst v63  }
0x138: {  	_ =	swait.ge [sflag:s10], $0x7D00  }
0x139: {  	[sflag:s10] =	ssyncset.done $0x0  }
0x13a: {  	s0 =	rddreg [dreg:$0x1a];
	[sflag:s10] =	ssyncadd.s32 $0xFFFF8300  }
0x13b: {  	[tilespmem:s9], [sflag:$0x2] =	stream.indirect.gather [hbm4b:s3+s5], $0x40, s0, s5, $0xb8;
	[tilespmem:$0x1E8C0] =	vst v63  }
0x13c: {  	_ =	swait.ge [sflag:s13], $0x7D00  }
0x13d: {  	[sflag:s13] =	ssyncset.done $0x0  }
0x13e: {  	s0 =	rddreg [dreg:$0x1b];
	[sflag:s13] =	ssyncadd.s32 $0xFFFF8300  }
0x13f: {  	[spmem:s2] =	stream.indirect.scatter.add.f32 [tilespmem:s8], [sflag:$0x3], $0x40, s0, s5, $0xb8;
	[tilespmem:$0x1E8C0] =	vst v63  }
0x140: {  	_ =	swait.ge [sflag:s12], $0x7D00  }
0x141: {  	[sflag:s12] =	ssyncset.done $0x0  }
0x142: {  	s0 =	rddreg [dreg:$0x1c];
	[sflag:s12] =	ssyncadd.s32 $0xFFFF8300  }
0x143: {  	[spmem:s2] =	stream.indirect.scatter.add.f32 [tilespmem:s9], [sflag:$0x4], $0x40, s0, s5, $0xb8;
	[tilespmem:$0x1E8C0] =	vst v63  }
0x144: {  	_ =	swait.ge [sflag:s11], $0x7D00  }
0x145: {  	[sflag:s11] =	ssyncset.done $0x0  }
0x146: {  	s0 =	rddreg [dreg:$0x1d];
	[sflag:s11] =	ssyncadd.s32 $0xFFFF8300  }
0x147: {  	[tilespmem:s8], [sflag:$0x1] =	stream.indirect.gather [hbm4b:s3+s5], $0x40, s0, s5, $0xb8;
	[tilespmem:$0x1E8C0] =	vst v63  }
0x148: {  	_ =	swait.ge [sflag:s10], $0x7D00  }
0x149: {  	[sflag:s10] =	ssyncset.done $0x0  }
0x14a: {  	s0 =	rddreg [dreg:$0x1e];
	[sflag:s10] =	ssyncadd.s32 $0xFFFF8300  }
0x14b: {  	[tilespmem:s9], [sflag:$0x2] =	stream.indirect.gather [hbm4b:s3+s5], $0x40, s0, s5, $0xb8;
	[tilespmem:$0x1E8C0] =	vst v63  }
0x14c: {  	_ =	swait.ge [sflag:s13], $0x7D00  }
0x14d: {  	[sflag:s13] =	ssyncset.done $0x0  }
0x14e: {  	[sflag:s13] =	ssyncadd.s32 $0xFFFF8300  }
0x14f: {  	[spmem:s2] =	stream.indirect.scatter.add.f32 [tilespmem:s8], [sflag:$0x3], $0x40, s28, s5, $0xb8;
	[tilespmem:$0x1E8C0] =	vst v63  }
0x150: {  	_ =	swait.ge [sflag:s12], $0x7D00  }
0x151: {  	[sflag:s12] =	ssyncset.done $0x0  }
0x152: {  	[sflag:s12] =	ssyncadd.s32 $0xFFFF8300  }
0x153: {  	[spmem:s2] =	stream.indirect.scatter.add.f32 [tilespmem:s9], [sflag:$0x4], $0x40, s26, s5, $0xb8;
	[tilespmem:$0x1E8C0] =	vst v63  }
0x154: {  	_ =	swait.ge [sflag:s11], $0x7D00  }
0x155: {  	[sflag:s11] =	ssyncset.done $0x0  }
0x156: {  	[sflag:s11] =	ssyncadd.s32 $0xFFFF8300  }
0x157: {  	[tilespmem:s8], [sflag:$0x1] =	stream.indirect.gather [hbm4b:s3+s5], $0x40, s25, s5, $0xb8;
	[tilespmem:$0x1E8C0] =	vst v63  }
0x158: {  	_ =	swait.ge [sflag:s10], $0x7D00  }
0x159: {  	[sflag:s10] =	ssyncset.done $0x0  }
0x15a: {  	[sflag:s10] =	ssyncadd.s32 $0xFFFF8300  }
0x15b: {  	[tilespmem:s9], [sflag:$0x2] =	stream.indirect.gather [hbm4b:s3+s5], $0x40, s24, s5, $0xb8;
	[tilespmem:$0x1E8C0] =	vst v63  }
0x15c: {  	_ =	swait.ge [sflag:s13], $0x7D00  }
0x15d: {  	[sflag:s13] =	ssyncset.done $0x0  }
0x15e: {  	[sflag:s13] =	ssyncadd.s32 $0xFFFF8300  }
0x15f: {  	[spmem:s2] =	stream.indirect.scatter.add.f32 [tilespmem:s8], [sflag:$0x3], $0x40, s23, s5, $0xb8;
	[tilespmem:$0x1E8C0] =	vst v63  }
0x160: {  	_ =	swait.ge [sflag:s12], $0x7D00  }
0x161: {  	[sflag:s12] =	ssyncset.done $0x0  }
0x162: {  	[sflag:s12] =	ssyncadd.s32 $0xFFFF8300  }
0x163: {  	[spmem:s2] =	stream.indirect.scatter.add.f32 [tilespmem:s9], [sflag:$0x4], $0x40, s22, s5, $0xb8;
	[tilespmem:$0x1E8C0] =	vst v63  }
0x164: {  	_ =	swait.ge [sflag:s11], $0x7D00  }
0x165: {  	[sflag:s11] =	ssyncset.done $0x0  }
0x166: {  	[sflag:s11] =	ssyncadd.s32 $0xFFFF8300  }
0x167: {  	[tilespmem:s8], [sflag:$0x1] =	stream.indirect.gather [hbm4b:s3+s5], $0x40, s21, s5, $0xb8;
	[tilespmem:$0x1E8C0] =	vst v63  }
0x168: {  	_ =	swait.ge [sflag:s10], $0x7D00  }
0x169: {  	[sflag:s10] =	ssyncset.done $0x0  }
0x16a: {  	[sflag:s10] =	ssyncadd.s32 $0xFFFF8300  }
0x16b: {  	[tilespmem:s9], [sflag:$0x2] =	stream.indirect.gather [hbm4b:s3+s5], $0x40, s19, s5, $0xb8;
	[tilespmem:$0x1E8C0] =	vst v63  }
0x16c: {  	_ =	swait.ge [sflag:s13], $0x7D00  }
0x16d: {  	[sflag:s13] =	ssyncset.done $0x0  }
0x16e: {  	[sflag:s13] =	ssyncadd.s32 $0xFFFF8300  }
0x16f: {  	[spmem:s2] =	stream.indirect.scatter.add.f32 [tilespmem:s8], [sflag:$0x3], $0x40, s20, s5, $0xb8;
	[tilespmem:$0x1E8C0] =	vst v63  }
0x170: {  	_ =	swait.ge [sflag:s12], $0x7D00  }
0x171: {  	[sflag:s12] =	ssyncset.done $0x0  }
0x172: {  	[sflag:s12] =	ssyncadd.s32 $0xFFFF8300  }
0x173: {  	[spmem:s2] =	stream.indirect.scatter.add.f32 [tilespmem:s9], [sflag:$0x4], $0x40, s18, s5, $0xb8;
	[tilespmem:$0x1E8C0] =	vst v63  }
0x174: {  	_ =	swait.ge [sflag:s11], $0x7D00  }
0x175: {  	[sflag:s11] =	ssyncset.done $0x0  }
0x176: {  	[sflag:s11] =	ssyncadd.s32 $0xFFFF8300  }
0x177: {  	[tilespmem:s8], [sflag:$0x1] =	stream.indirect.gather [hbm4b:s3+s5], $0x40, s17, s5, $0xb8;
	[tilespmem:$0x1E8C0] =	vst v63  }
0x178: {  	_ =	swait.ge [sflag:s10], $0x7D00  }
0x179: {  	[sflag:s10] =	ssyncset.done $0x0  }
0x17a: {  	[sflag:s10] =	ssyncadd.s32 $0xFFFF8300  }
0x17b: {  	[tilespmem:s9], [sflag:$0x2] =	stream.indirect.gather [hbm4b:s3+s5], $0x40, s16, s5, $0xb8;
	[tilespmem:$0x1E8C0] =	vst v63  }
0x17c: {  	_ =	swait.ge [sflag:s13], $0x7D00  }
0x17d: {  	[sflag:s13] =	ssyncset.done $0x0  }
0x17e: {  	[sflag:s13] =	ssyncadd.s32 $0xFFFF8300  }
0x17f: {  	[spmem:s2] =	stream.indirect.scatter.add.f32 [tilespmem:s8], [sflag:$0x3], $0x40, s15, s5, $0xb8;
	[tilespmem:$0x1E8C0] =	vst v63  }
0x180: {  	_ =	swait.ge [sflag:s12], $0x7D00  }
0x181: {  	[sflag:s12] =	ssyncset.done $0x0  }
0x182: {  	[sflag:s12] =	ssyncadd.s32 $0xFFFF8300  }
0x183: {  	[spmem:s2] =	stream.indirect.scatter.add.f32 [tilespmem:s9], [sflag:$0x4], $0x40, s14, s5, $0xb8;
	[tilespmem:$0x1E8C0] =	vst v63  }
0x184: {  	_ =	swait.ge [sflag:s11], $0x7D00  }
0x185: {  	[sflag:s11] =	ssyncset.done $0x0  }
0x186: {  	[sflag:s11] =	ssyncadd.s32 $0xFFFF8300  }
0x187: {  	_ =	swait.ge [sflag:s10], $0x7D00  }
0x188: {  	[sflag:s10] =	ssyncset.done $0x0  }
0x189: {  	p1 =	sne.s32 s1, $0x1;
	[sflag:s10] =	ssyncadd.s32 $0xFFFF8300  }
.Ltmp2:
0x18a: {  	[bflag:$0x0] =	sbarrier.arrive $0xFFFF;
	(pc) =	sbr.rel @p1 .LBB2_2-.Ltmp2, $4  }
0x18b: {  	s0 =	rddreg [dreg:$0x6]  }
0x18c: {  	[hbm:s0], [sflag:s6] =	dma.local [spmem:s7], $0x1400  }
0x18d: {  	_ =	swait.ge [sflag:s4], $0x1400  }
0x18e: {  	s1 =	sadd.s32 $0xFFFFFFFF, s1;
	s0 =	rddreg [dreg:$0x3];
	[sflag:s4] =	ssyncset.done $0x0  }
.LBB2_3:
0x18f: {  	[sflag:s4] =	ssyncadd.s32 @p0 $0xFFFFEC00  }
0x190: {  	[tilespmem:s31], [sflag:$0x5] =	stream.linear.gather [hbm4b:s0+s29], $0x2760, $0x38;
	[tilespmem:$0x1E8C0] =	vst v63  }
0x191: {  	_ =	swait.ge [sflag:s4], $0x2760  }
0x192: {  	[sflag:s4] =	ssyncset.done $0x0  }
0x193: {  	s1 =	rddreg [dreg:$0x4];
	[sflag:s4] =	ssyncadd.s32 $0xFFFFD8A0  }
0x194: {  	[tilespmem:s30], [sflag:$0x5] =	stream.linear.gather [hbm4b:s1+s29], $0x2760, $0x38;
	[tilespmem:$0x1E8C0] =	vst v63  }
0x195: {  	_ =	swait.ge [sflag:s4], $0x2760  }
0x196: {  	[sflag:s4] =	ssyncset.done $0x0  }
0x197: {  	s1 =	rddreg [dreg:$0x5];
	[sflag:s4] =	ssyncadd.s32 $0xFFFFD8A0  }
0x198: {  	[tilespmem:s8], [sflag:$0x1] =	stream.indirect.gather [hbm4b:s3+s5], $0x40, s31, s5, $0xb8;
	[tilespmem:$0x1E8C0] =	vst v63  }
0x199: {  	[spmem:s7], [sflag:s6] =	dma.local [hbm:s1], $0x1400  }
0x19a: {  	_ =	swait.ge [sflag:s4], $0x1400  }
0x19b: {  	[sflag:s4] =	ssyncset.done $0x0  }
0x19c: {  	[sflag:s4] =	ssyncadd.s32 $0xFFFFEC00  }
0x19d: {  	[bflag:$0x0] =	sbarrier.arrive $0xFFFF  }
0x19e: {  	s29 =	rddreg [dreg:$0x7]  }
0x19f: {  	[tilespmem:s9], [sflag:$0x2] =	stream.indirect.gather [hbm4b:s3+s5], $0x40, s29, s5, $0xb8;
	[tilespmem:$0x1E8C0] =	vst v63  }
0x1a0: {  	_ =	swait.ge [sflag:s13], $0x7D00  }
0x1a1: {  	[sflag:s13] =	ssyncset.done $0x0  }
0x1a2: {  	[sflag:s13] =	ssyncadd.s32 $0xFFFF8300  }
0x1a3: {  	[spmem:s2] =	stream.indirect.scatter.add.f32 [tilespmem:s8], [sflag:$0x3], $0x40, s30, s5, $0xb8;
	[tilespmem:$0x1E8C0] =	vst v63  }
0x1a4: {  	_ =	swait.ge [sflag:s12], $0x7D00  }
0x1a5: {  	[sflag:s12] =	ssyncset.done $0x0  }
0x1a6: {  	s31 =	rddreg [dreg:$0x8];
	[sflag:s12] =	ssyncadd.s32 $0xFFFF8300  }
0x1a7: {  	[spmem:s2] =	stream.indirect.scatter.add.f32 [tilespmem:s9], [sflag:$0x4], $0x40, s31, s5, $0xb8;
	[tilespmem:$0x1E8C0] =	vst v63  }
0x1a8: {  	_ =	swait.ge [sflag:s11], $0x7D00  }
0x1a9: {  	[sflag:s11] =	ssyncset.done $0x0  }
0x1aa: {  	s1 =	rddreg [dreg:$0x9];
	[sflag:s11] =	ssyncadd.s32 $0xFFFF8300  }
0x1ab: {  	[tilespmem:s8], [sflag:$0x1] =	stream.indirect.gather [hbm4b:s3+s5], $0x40, s1, s5, $0xb8;
	[tilespmem:$0x1E8C0] =	vst v63  }
0x1ac: {  	_ =	swait.ge [sflag:s10], $0x7D00  }
0x1ad: {  	[sflag:s10] =	ssyncset.done $0x0  }
0x1ae: {  	s29 =	rddreg [dreg:$0xa];
	[sflag:s10] =	ssyncadd.s32 $0xFFFF8300  }
0x1af: {  	[tilespmem:s9], [sflag:$0x2] =	stream.indirect.gather [hbm4b:s3+s5], $0x40, s29, s5, $0xb8;
	[tilespmem:$0x1E8C0] =	vst v63  }
0x1b0: {  	_ =	swait.ge [sflag:s13], $0x7D00  }
0x1b1: {  	[sflag:s13] =	ssyncset.done $0x0  }
0x1b2: {  	s30 =	rddreg [dreg:$0xb];
	[sflag:s13] =	ssyncadd.s32 $0xFFFF8300  }
0x1b3: {  	[spmem:s2] =	stream.indirect.scatter.add.f32 [tilespmem:s8], [sflag:$0x3], $0x40, s30, s5, $0xb8;
	[tilespmem:$0x1E8C0] =	vst v63  }
0x1b4: {  	_ =	swait.ge [sflag:s12], $0x7D00  }
0x1b5: {  	[sflag:s12] =	ssyncset.done $0x0  }
0x1b6: {  	s31 =	rddreg [dreg:$0xc];
	[sflag:s12] =	ssyncadd.s32 $0xFFFF8300  }
0x1b7: {  	[spmem:s2] =	stream.indirect.scatter.add.f32 [tilespmem:s9], [sflag:$0x4], $0x40, s31, s5, $0xb8;
	[tilespmem:$0x1E8C0] =	vst v63  }
0x1b8: {  	_ =	swait.ge [sflag:s11], $0x7D00  }
0x1b9: {  	[sflag:s11] =	ssyncset.done $0x0  }
0x1ba: {  	s1 =	rddreg [dreg:$0xd];
	[sflag:s11] =	ssyncadd.s32 $0xFFFF8300  }
0x1bb: {  	[tilespmem:s8], [sflag:$0x1] =	stream.indirect.gather [hbm4b:s3+s5], $0x40, s1, s5, $0xb8;
	[tilespmem:$0x1E8C0] =	vst v63  }
0x1bc: {  	_ =	swait.ge [sflag:s10], $0x7D00  }
0x1bd: {  	[sflag:s10] =	ssyncset.done $0x0  }
0x1be: {  	s29 =	rddreg [dreg:$0xe];
	[sflag:s10] =	ssyncadd.s32 $0xFFFF8300  }
0x1bf: {  	[tilespmem:s9], [sflag:$0x2] =	stream.indirect.gather [hbm4b:s3+s5], $0x40, s29, s5, $0xb8;
	[tilespmem:$0x1E8C0] =	vst v63  }
0x1c0: {  	_ =	swait.ge [sflag:s13], $0x7D00  }
0x1c1: {  	[sflag:s13] =	ssyncset.done $0x0  }
0x1c2: {  	s30 =	rddreg [dreg:$0xf];
	[sflag:s13] =	ssyncadd.s32 $0xFFFF8300  }
0x1c3: {  	[spmem:s2] =	stream.indirect.scatter.add.f32 [tilespmem:s8], [sflag:$0x3], $0x40, s30, s5, $0xb8;
	[tilespmem:$0x1E8C0] =	vst v63  }
0x1c4: {  	_ =	swait.ge [sflag:s12], $0x7D00  }
0x1c5: {  	[sflag:s12] =	ssyncset.done $0x0  }
0x1c6: {  	s31 =	rddreg [dreg:$0x10];
	[sflag:s12] =	ssyncadd.s32 $0xFFFF8300  }
0x1c7: {  	[spmem:s2] =	stream.indirect.scatter.add.f32 [tilespmem:s9], [sflag:$0x4], $0x40, s31, s5, $0xb8;
	[tilespmem:$0x1E8C0] =	vst v63  }
0x1c8: {  	_ =	swait.ge [sflag:s11], $0x7D00  }
0x1c9: {  	[sflag:s11] =	ssyncset.done $0x0  }
0x1ca: {  	s1 =	rddreg [dreg:$0x11];
	[sflag:s11] =	ssyncadd.s32 $0xFFFF8300  }
0x1cb: {  	[tilespmem:s8], [sflag:$0x1] =	stream.indirect.gather [hbm4b:s3+s5], $0x40, s1, s5, $0xb8;
	[tilespmem:$0x1E8C0] =	vst v63  }
0x1cc: {  	_ =	swait.ge [sflag:s10], $0x7D00  }
0x1cd: {  	[sflag:s10] =	ssyncset.done $0x0  }
0x1ce: {  	s29 =	rddreg [dreg:$0x12];
	[sflag:s10] =	ssyncadd.s32 $0xFFFF8300  }
0x1cf: {  	[tilespmem:s9], [sflag:$0x2] =	stream.indirect.gather [hbm4b:s3+s5], $0x40, s29, s5, $0xb8;
	[tilespmem:$0x1E8C0] =	vst v63  }
0x1d0: {  	_ =	swait.ge [sflag:s13], $0x7D00  }
0x1d1: {  	[sflag:s13] =	ssyncset.done $0x0  }
0x1d2: {  	s30 =	rddreg [dreg:$0x13];
	[sflag:s13] =	ssyncadd.s32 $0xFFFF8300  }
0x1d3: {  	[spmem:s2] =	stream.indirect.scatter.add.f32 [tilespmem:s8], [sflag:$0x3], $0x40, s30, s5, $0xb8;
	[tilespmem:$0x1E8C0] =	vst v63  }
0x1d4: {  	_ =	swait.ge [sflag:s12], $0x7D00  }
0x1d5: {  	[sflag:s12] =	ssyncset.done $0x0  }
0x1d6: {  	s31 =	rddreg [dreg:$0x14];
	[sflag:s12] =	ssyncadd.s32 $0xFFFF8300  }
0x1d7: {  	[spmem:s2] =	stream.indirect.scatter.add.f32 [tilespmem:s9], [sflag:$0x4], $0x40, s31, s5, $0xb8;
	[tilespmem:$0x1E8C0] =	vst v63  }
0x1d8: {  	_ =	swait.ge [sflag:s11], $0x7D00  }
0x1d9: {  	[sflag:s11] =	ssyncset.done $0x0  }
0x1da: {  	s1 =	rddreg [dreg:$0x15];
	[sflag:s11] =	ssyncadd.s32 $0xFFFF8300  }
0x1db: {  	[tilespmem:s8], [sflag:$0x1] =	stream.indirect.gather [hbm4b:s3+s5], $0x40, s1, s5, $0xb8;
	[tilespmem:$0x1E8C0] =	vst v63  }
0x1dc: {  	_ =	swait.ge [sflag:s10], $0x7D00  }
0x1dd: {  	[sflag:s10] =	ssyncset.done $0x0  }
0x1de: {  	s29 =	rddreg [dreg:$0x16];
	[sflag:s10] =	ssyncadd.s32 $0xFFFF8300  }
0x1df: {  	[tilespmem:s9], [sflag:$0x2] =	stream.indirect.gather [hbm4b:s3+s5], $0x40, s29, s5, $0xb8;
	[tilespmem:$0x1E8C0] =	vst v63  }
0x1e0: {  	_ =	swait.ge [sflag:s13], $0x7D00  }
0x1e1: {  	[sflag:s13] =	ssyncset.done $0x0  }
0x1e2: {  	s30 =	rddreg [dreg:$0x17];
	[sflag:s13] =	ssyncadd.s32 $0xFFFF8300  }
0x1e3: {  	[spmem:s2] =	stream.indirect.scatter.add.f32 [tilespmem:s8], [sflag:$0x3], $0x40, s30, s5, $0xb8;
	[tilespmem:$0x1E8C0] =	vst v63  }
0x1e4: {  	_ =	swait.ge [sflag:s12], $0x7D00  }
0x1e5: {  	[sflag:s12] =	ssyncset.done $0x0  }
0x1e6: {  	s31 =	rddreg [dreg:$0x18];
	[sflag:s12] =	ssyncadd.s32 $0xFFFF8300  }
0x1e7: {  	[spmem:s2] =	stream.indirect.scatter.add.f32 [tilespmem:s9], [sflag:$0x4], $0x40, s31, s5, $0xb8;
	[tilespmem:$0x1E8C0] =	vst v63  }
0x1e8: {  	_ =	swait.ge [sflag:s11], $0x7D00  }
0x1e9: {  	[sflag:s11] =	ssyncset.done $0x0  }
0x1ea: {  	s1 =	rddreg [dreg:$0x19];
	[sflag:s11] =	ssyncadd.s32 $0xFFFF8300  }
0x1eb: {  	[tilespmem:s8], [sflag:$0x1] =	stream.indirect.gather [hbm4b:s3+s5], $0x40, s1, s5, $0xb8;
	[tilespmem:$0x1E8C0] =	vst v63  }
0x1ec: {  	_ =	swait.ge [sflag:s10], $0x7D00  }
0x1ed: {  	[sflag:s10] =	ssyncset.done $0x0  }
0x1ee: {  	s29 =	rddreg [dreg:$0x1a];
	[sflag:s10] =	ssyncadd.s32 $0xFFFF8300  }
0x1ef: {  	[tilespmem:s9], [sflag:$0x2] =	stream.indirect.gather [hbm4b:s3+s5], $0x40, s29, s5, $0xb8;
	[tilespmem:$0x1E8C0] =	vst v63  }
0x1f0: {  	_ =	swait.ge [sflag:s13], $0x7D00  }
0x1f1: {  	[sflag:s13] =	ssyncset.done $0x0  }
0x1f2: {  	s30 =	rddreg [dreg:$0x1b];
	[sflag:s13] =	ssyncadd.s32 $0xFFFF8300  }
0x1f3: {  	[spmem:s2] =	stream.indirect.scatter.add.f32 [tilespmem:s8], [sflag:$0x3], $0x40, s30, s5, $0xb8;
	[tilespmem:$0x1E8C0] =	vst v63  }
0x1f4: {  	_ =	swait.ge [sflag:s12], $0x7D00  }
0x1f5: {  	[sflag:s12] =	ssyncset.done $0x0  }
0x1f6: {  	s31 =	rddreg [dreg:$0x1c];
	[sflag:s12] =	ssyncadd.s32 $0xFFFF8300  }
0x1f7: {  	[spmem:s2] =	stream.indirect.scatter.add.f32 [tilespmem:s9], [sflag:$0x4], $0x40, s31, s5, $0xb8;
	[tilespmem:$0x1E8C0] =	vst v63  }
0x1f8: {  	_ =	swait.ge [sflag:s11], $0x7D00  }
0x1f9: {  	[sflag:s11] =	ssyncset.done $0x0  }
0x1fa: {  	s1 =	rddreg [dreg:$0x1d];
	[sflag:s11] =	ssyncadd.s32 $0xFFFF8300  }
0x1fb: {  	[tilespmem:s8], [sflag:$0x1] =	stream.indirect.gather [hbm4b:s3+s5], $0x40, s1, s5, $0xb8;
	[tilespmem:$0x1E8C0] =	vst v63  }
0x1fc: {  	_ =	swait.ge [sflag:s10], $0x7D00  }
0x1fd: {  	[sflag:s10] =	ssyncset.done $0x0  }
0x1fe: {  	s29 =	rddreg [dreg:$0x1e];
	[sflag:s10] =	ssyncadd.s32 $0xFFFF8300  }
0x1ff: {  	[tilespmem:s9], [sflag:$0x2] =	stream.indirect.gather [hbm4b:s3+s5], $0x40, s29, s5, $0xb8;
	[tilespmem:$0x1E8C0] =	vst v63  }
0x200: {  	_ =	swait.ge [sflag:s13], $0x7D00  }
0x201: {  	[sflag:s13] =	ssyncset.done $0x0  }
0x202: {  	[sflag:s13] =	ssyncadd.s32 $0xFFFF8300  }
0x203: {  	[spmem:s2] =	stream.indirect.scatter.add.f32 [tilespmem:s8], [sflag:$0x3], $0x40, s28, s5, $0xb8;
	[tilespmem:$0x1E8C0] =	vst v63  }
0x204: {  	_ =	swait.ge [sflag:s12], $0x7D00  }
0x205: {  	[sflag:s12] =	ssyncset.done $0x0  }
0x206: {  	[sflag:s12] =	ssyncadd.s32 $0xFFFF8300  }
0x207: {  	[spmem:s2] =	stream.indirect.scatter.add.f32 [tilespmem:s9], [sflag:$0x4], $0x40, s26, s5, $0xb8;
	[tilespmem:$0x1E8C0] =	vst v63  }
0x208: {  	_ =	swait.ge [sflag:s11], $0x7D00  }
0x209: {  	[sflag:s11] =	ssyncset.done $0x0  }
0x20a: {  	[sflag:s11] =	ssyncadd.s32 $0xFFFF8300  }
0x20b: {  	[tilespmem:s8], [sflag:$0x1] =	stream.indirect.gather [hbm4b:s3+s5], $0x40, s25, s5, $0xb8;
	[tilespmem:$0x1E8C0] =	vst v63  }
0x20c: {  	_ =	swait.ge [sflag:s10], $0x7D00  }
0x20d: {  	[sflag:s10] =	ssyncset.done $0x0  }
0x20e: {  	[sflag:s10] =	ssyncadd.s32 $0xFFFF8300  }
0x20f: {  	[tilespmem:s9], [sflag:$0x2] =	stream.indirect.gather [hbm4b:s3+s5], $0x40, s24, s5, $0xb8;
	[tilespmem:$0x1E8C0] =	vst v63  }
0x210: {  	_ =	swait.ge [sflag:s13], $0x7D00  }
0x211: {  	[sflag:s13] =	ssyncset.done $0x0  }
0x212: {  	[sflag:s13] =	ssyncadd.s32 $0xFFFF8300  }
0x213: {  	[spmem:s2] =	stream.indirect.scatter.add.f32 [tilespmem:s8], [sflag:$0x3], $0x40, s23, s5, $0xb8;
	[tilespmem:$0x1E8C0] =	vst v63  }
0x214: {  	_ =	swait.ge [sflag:s12], $0x7D00  }
0x215: {  	[sflag:s12] =	ssyncset.done $0x0  }
0x216: {  	[sflag:s12] =	ssyncadd.s32 $0xFFFF8300  }
0x217: {  	[spmem:s2] =	stream.indirect.scatter.add.f32 [tilespmem:s9], [sflag:$0x4], $0x40, s22, s5, $0xb8;
	[tilespmem:$0x1E8C0] =	vst v63  }
0x218: {  	_ =	swait.ge [sflag:s11], $0x7D00  }
0x219: {  	[sflag:s11] =	ssyncset.done $0x0  }
0x21a: {  	[sflag:s11] =	ssyncadd.s32 $0xFFFF8300  }
0x21b: {  	[tilespmem:s8], [sflag:$0x1] =	stream.indirect.gather [hbm4b:s3+s5], $0x40, s21, s5, $0xb8;
	[tilespmem:$0x1E8C0] =	vst v63  }
0x21c: {  	_ =	swait.ge [sflag:s10], $0x7D00  }
0x21d: {  	[sflag:s10] =	ssyncset.done $0x0  }
0x21e: {  	[sflag:s10] =	ssyncadd.s32 $0xFFFF8300  }
0x21f: {  	[tilespmem:s9], [sflag:$0x2] =	stream.indirect.gather [hbm4b:s3+s5], $0x40, s19, s5, $0xb8;
	[tilespmem:$0x1E8C0] =	vst v63  }
0x220: {  	_ =	swait.ge [sflag:s13], $0x7D00  }
0x221: {  	[sflag:s13] =	ssyncset.done $0x0  }
0x222: {  	[sflag:s13] =	ssyncadd.s32 $0xFFFF8300  }
0x223: {  	[spmem:s2] =	stream.indirect.scatter.add.f32 [tilespmem:s8], [sflag:$0x3], $0x40, s20, s5, $0xb8;
	[tilespmem:$0x1E8C0] =	vst v63  }
0x224: {  	_ =	swait.ge [sflag:s12], $0x7D00  }
0x225: {  	[sflag:s12] =	ssyncset.done $0x0  }
0x226: {  	[sflag:s12] =	ssyncadd.s32 $0xFFFF8300  }
0x227: {  	[spmem:s2] =	stream.indirect.scatter.add.f32 [tilespmem:s9], [sflag:$0x4], $0x40, s18, s5, $0xb8;
	[tilespmem:$0x1E8C0] =	vst v63  }
0x228: {  	_ =	swait.ge [sflag:s11], $0x7D00  }
0x229: {  	[sflag:s11] =	ssyncset.done $0x0  }
0x22a: {  	[sflag:s11] =	ssyncadd.s32 $0xFFFF8300  }
0x22b: {  	[tilespmem:s8], [sflag:$0x1] =	stream.indirect.gather [hbm4b:s3+s5], $0x40, s17, s5, $0xb8;
	[tilespmem:$0x1E8C0] =	vst v63  }
0x22c: {  	_ =	swait.ge [sflag:s10], $0x7D00  }
0x22d: {  	[sflag:s10] =	ssyncset.done $0x0  }
0x22e: {  	[sflag:s10] =	ssyncadd.s32 $0xFFFF8300  }
0x22f: {  	[tilespmem:s9], [sflag:$0x2] =	stream.indirect.gather [hbm4b:s3+s5], $0x40, s16, s5, $0xb8;
	[tilespmem:$0x1E8C0] =	vst v63  }
0x230: {  	_ =	swait.ge [sflag:s13], $0x7D00  }
0x231: {  	[sflag:s13] =	ssyncset.done $0x0  }
0x232: {  	[sflag:s13] =	ssyncadd.s32 $0xFFFF8300  }
0x233: {  	[spmem:s2] =	stream.indirect.scatter.add.f32 [tilespmem:s8], [sflag:$0x3], $0x40, s15, s5, $0xb8;
	[tilespmem:$0x1E8C0] =	vst v63  }
0x234: {  	_ =	swait.ge [sflag:s12], $0x7D00  }
0x235: {  	[sflag:s12] =	ssyncset.done $0x0  }
0x236: {  	[sflag:s12] =	ssyncadd.s32 $0xFFFF8300  }
0x237: {  	[spmem:s2] =	stream.indirect.scatter.add.f32 [tilespmem:s9], [sflag:$0x4], $0x40, s14, s5, $0xb8;
	[tilespmem:$0x1E8C0] =	vst v63  }
0x238: {  	_ =	swait.ge [sflag:s11], $0x7D00  }
0x239: {  	[sflag:s11] =	ssyncset.done $0x0  }
0x23a: {  	[sflag:s11] =	ssyncadd.s32 $0xFFFF8300  }
0x23b: {  	_ =	swait.ge [sflag:s10], $0x7D00  }
0x23c: {  	[sflag:s10] =	ssyncset.done $0x0  }
0x23d: {  	[sflag:s10] =	ssyncadd.s32 $0xFFFF8300  }
0x23e: {  	[bflag:$0x0] =	sbarrier.arrive $0xFFFF  }
0x23f: {  	s30 =	rddreg [dreg:$0x6]  }
0x240: {  	[hbm:s30], [sflag:s6] =	dma.local [spmem:s7], $0x1400  }
0x241: {  	_ =	swait.ge [sflag:s4], $0x1400  }
0x242: {  	[sflag:s4] =	ssyncset.done $0x0  }
0x243: {  	[sflag:s4] =	ssyncadd.s32 $0xFFFFEC00  }
0x244: {  	_ =	sfence.sel $0x180000  }
0x245: {  	[bflag:$0x0] =	sbarrier.arrive $0xFFFF  }
0x246: {  	_ =	strace $0x9000004A  }
0x247: {  	s31 =	stileid.u32;
	[bflag:$0x2] =	sbarrier.arrive $0xFFFF  }
0x248: {  	p0 =	sne.s32 s31, $0x0;
	s0 =	rddreg [dreg:$0x2]  }
0x249: {  	s0 =	sadd.s32 @!p0 $0x100000, s0  }
0x24a: {  	[sflag:s0] =	ssyncadd.tile.s32 @!p0 $0x1;
	_ =	shalt  }
.Lfunc_end2:
_tile_overlayer_lowered:
.L_overlay_start_2:
0x24b: {  	(tag) =	ssettag $0x2  }
0x24c: {  	s0 =	rddreg [dreg:$0x0];
	s2 =	stileid.u32  }
0x24d: {  	s1 =	rddreg [dreg:$0x1];
	p0 =	sne.s32 s2, $0x0  }
0x24e: {  	s3 =	rddreg [dreg:$0x2];
	[bflag:$0x3] =	sbarrier.arrive $0xFFFF;
	s2 =	simm.s32 @!p0 $0x1C05  }
0x24f: {  	[timem:s3], [sflag:s2] =	dma.local @!p0 [hbm:s0], s1  }
0x250: {  	s0 =	simm.s32 @!p0 $0x5  }
0x251: {  	_ =	swait.ge @!p0 [sflag:s0], s1  }
0x252: {  	s1 =	ssub.s32 @!p0 $0x0, s1;
	[sflag:s0] =	ssyncset.done @!p0 $0x0  }
0x253: {  	[sflag:s0] =	ssyncadd.s32 @!p0 s1  }
0x254: {  	[bflag:$0x3] =	sbarrier.arrive $0xFFFF  }
0x255: {  	_ =	shalt  }

// kernel: kernel.15.cloned.1.call-start
scs
__scs_entry_jumppad:
0x0: {  	(pc) =	sbr.rel $0x88, $3  }
0x1: {  	(tag) =	ssettag $0x0;
	lr =	simm.s32 $0x1  }
0x2: {  	[smem:$0x3F9B] =	sst lr;
	_ =	strace $0xD0000000  }
0x3: {  	_ = 	snop  }
0x4: {  	_ = 	snop  }
0x5: {  	_ = 	snop  }
0x6: {  	_ = 	snop  }
0x7: {  	_ = 	snop  }
__scs_overlays_trampoline_lowered:
0x8: {  	[smem:$0x3FAA] =	sst s0  }
0x9: {  	[smem:$0x3FAB] =	sst s1  }
0xa: {  	[smem:$0x3FAC] =	sst s2  }
0xb: {  	[smem:$0x3FAD] =	sst s3  }
0xc: {  	[smem:$0x3FAE] =	sst s4  }
0xd: {  	[smem:$0x3FAF] =	sst s5  }
0xe: {  	[smem:$0x3FB0] =	sst s6  }
0xf: {  	[smem:$0x3FB1] =	sst s7  }
0x10: {  	[smem:$0x3FB2] =	sst s8  }
0x11: {  	[smem:$0x3FB3] =	sst s9;
	s0 =	simm.s32 @!p0 $0x0  }
0x12: {  	s1 =	sld [smem:$0x3F99];
	s0 =	simm.s32 @p0 $0x1  }
0x13: {  	[smem:$0x3FB4] =	sst s0;
	s0 =	simm.s32 @!p1 $0x0  }
0x14: {  	s2 =	sld [smem:$0x3F98];
	s0 =	simm.s32 @p1 $0x1  }
0x15: {  	[smem:$0x3FB5] =	sst s0;
	s0 =	simm.s32 @!p2 $0x0  }
0x16: {  	s3 =	sld [smem:$0x3FDB];
	s0 =	simm.s32 @p2 $0x1  }
0x17: {  	s4 =	simm.s32 $0x1BF5;
	[smem:$0x3FB7] =	sst s0  }
0x18: {  	s0 =	sld [smem:$0x3F9A];
	_ =	swait.ge [sflag:s4], $0x0  }
0x19: {  	s7 =	sld [smem:$0x3F9B]  }
0x1a: {  	s8 =	sadd.s32 $0xFFFFE003, lr  }
0x1b: {  	s9 =	sadd.s32 $0xFFFFFEF7, lr;
	s5 =	simm.s32 $0xFFFFFFFF;
	p2 =	slt.u32 s8, $0xFFFFF086  }
0x1c: {  	p1 =	slt.u32 s9, $0xF7A;
	s5 =	simm.s32 @!p2 $0x0  }
0x1d: {  	s5 =	simm.s32 @p1 $0x1;
	p0 =	seq.s32 s7, s2  }
0x1e: {  	s7 =	smul.u32 @!p0 $0xF7A, s2;
	p2 =	seq.s32 @!p0 s5, $0x0  }
0x1f: {  	s9 =	smul.u32 $0xF7A, s1;
	s8 =	simm.s32 @!p0 $0x1BF5;
	p2 =	por !p2, p0  }
0x20: {  	[sflag:s8] =	ssyncset.s32 @!p0 $0xFFFFF086;
	s6 =	sadd.s32 @!p0 s3, s7;
	s7 =	simm.s32 @!p0 $0x108  }
0x21: {  	s3 =	sadd.s32 s3, s9;
	s6 =	sadd.s32 @!p0 $0x88, s6;
	s7 =	simm.s32 @p2 $0x1082  }
0x22: {  	[simem:s7], [sflag:s8] =	dma.local @!p0 [hbm:s6], $0xF7A  }
0x23: {  	s9 =	sor.u32 $0xD0000000, s2;
	s6 =	simm.s32 $0x108;
	_ =	swait.ge @!p0 [sflag:s8], $0x0  }
0x24: {  	s3 =	sadd.s32 $0x88, s3;
	s6 =	simm.s32 @!p1 $0x1082;
	[sflag:s4] =	ssyncset.s32 $0xFFFFF086  }
0x25: {  	[simem:s6], [sflag:s4] =	dma.local [hbm:s3], $0xF7A  }
0x26: {  	[smem:$0x3F9B] =	sst s1;
	(tag) =	ssettag s2;
	_ =	strace s9  }
0x27: {  	s1 =	sld [smem:$0x3FAB]  }
0x28: {  	s2 =	sld [smem:$0x3FAC]  }
0x29: {  	s4 =	sld [smem:$0x3FAE]  }
0x2a: {  	p0 =	seq.s32 s5, $0x0;
	s5 =	sld [smem:$0x3FAF]  }
0x2b: {  	s6 =	sld [smem:$0x3FB0]  }
0x2c: {  	s7 =	sld [smem:$0x3FB1]  }
0x2d: {  	s3 =	simm.s32 $0x108;
	s8 =	sld [smem:$0x3FB2]  }
0x2e: {  	s3 =	simm.s32 @!p0 $0x1082;
	s9 =	sld [smem:$0x3FB3]  }
0x2f: {  	lr =	sadd.s32 s0, s3;
	s0 =	sld [smem:$0x3FAA]  }
0x30: {  	s3 =	sld [smem:$0x3FAD]  }
0x31: {  	[smem:$0x3FB6] =	sst s10  }
0x32: {  	s10 =	sld [smem:$0x3FB4];
	_ =	sdelay $0x3  }
0x33: {  	p0 =	seq.s32 s10, $0x1;
	s10 =	sld [smem:$0x3FB6];
	_ =	sdelay $0x3  }
0x34: {  	[smem:$0x3FB6] =	sst s10  }
0x35: {  	s10 =	sld [smem:$0x3FB5];
	_ =	sdelay $0x3  }
0x36: {  	p1 =	seq.s32 s10, $0x1;
	s10 =	sld [smem:$0x3FB6];
	_ =	sdelay $0x3  }
0x37: {  	[smem:$0x3FB6] =	sst s10  }
0x38: {  	s10 =	sld [smem:$0x3FB7]  }
0x39: {  	_ = 	snop;
	(pc) =	sbr.ind lr, $3  }
0x3a: {  	_ = 	snop  }
0x3b: {  	_ = 	snop  }
0x3c: {  	p2 =	seq.s32 s10, $0x1;
	s10 =	sld [smem:$0x3FB6]  }
0x3d: {  	_ =	shalt  }
0x3e: {  	_ =	shalt  }
0x3f: {  	_ =	shalt  }
0x40: {  	_ =	shalt  }
0x41: {  	_ =	shalt  }
0x42: {  	_ =	shalt  }
0x43: {  	_ =	shalt  }
0x44: {  	_ =	shalt  }
0x45: {  	_ =	shalt  }
0x46: {  	_ =	shalt  }
0x47: {  	_ =	shalt  }
0x48: {  	_ =	shalt  }
0x49: {  	_ =	shalt  }
0x4a: {  	_ =	shalt  }
0x4b: {  	_ =	shalt  }
0x4c: {  	_ =	shalt  }
0x4d: {  	_ =	shalt  }
0x4e: {  	_ =	shalt  }
0x4f: {  	_ =	shalt  }
0x50: {  	_ =	shalt  }
0x51: {  	_ =	shalt  }
0x52: {  	_ =	shalt  }
0x53: {  	_ =	shalt  }
0x54: {  	_ =	shalt  }
0x55: {  	_ =	shalt  }
0x56: {  	_ =	shalt  }
0x57: {  	_ =	shalt  }
0x58: {  	_ =	shalt  }
0x59: {  	_ =	shalt  }
0x5a: {  	_ =	shalt  }
0x5b: {  	_ =	shalt  }
0x5c: {  	_ =	shalt  }
0x5d: {  	_ =	shalt  }
0x5e: {  	_ =	shalt  }
0x5f: {  	_ =	shalt  }
0x60: {  	_ =	shalt  }
0x61: {  	_ =	shalt  }
0x62: {  	_ =	shalt  }
0x63: {  	_ =	shalt  }
0x64: {  	_ =	shalt  }
0x65: {  	_ =	shalt  }
0x66: {  	_ =	shalt  }
0x67: {  	_ =	shalt  }
0x68: {  	_ =	shalt  }
0x69: {  	_ =	shalt  }
0x6a: {  	_ =	shalt  }
0x6b: {  	_ =	shalt  }
0x6c: {  	_ =	shalt  }
0x6d: {  	_ =	shalt  }
0x6e: {  	_ =	shalt  }
0x6f: {  	_ =	shalt  }
0x70: {  	_ =	shalt  }
0x71: {  	_ =	shalt  }
0x72: {  	_ =	shalt  }
0x73: {  	_ =	shalt  }
0x74: {  	_ =	shalt  }
0x75: {  	_ =	shalt  }
0x76: {  	_ =	shalt  }
0x77: {  	_ =	shalt  }
0x78: {  	_ =	shalt  }
0x79: {  	_ =	shalt  }
0x7a: {  	_ =	shalt  }
0x7b: {  	_ =	shalt  }
0x7c: {  	_ =	shalt  }
0x7d: {  	_ =	shalt  }
0x7e: {  	_ =	shalt  }
0x7f: {  	_ =	shalt  }
0x80: {  	_ =	shalt  }
0x81: {  	_ =	shalt  }
0x82: {  	_ =	shalt  }
0x83: {  	_ =	shalt  }
0x84: {  	_ =	shalt  }
0x85: {  	_ =	shalt  }
0x86: {  	_ =	shalt  }
0x87: {  	_ =	shalt  }
.Lfunc_end0:
.L_simem_size_0:
called_computation.2_lowered:
.L_overlay_start_0:
0x88: {  	s2 =	sld [smem:$0x3FD9]  }
0x89: {  	s3 =	sld [smem:$0x3FFE];
	_ =	sdelay $0x1  }
0x8a: {  	s1 =	srdreg.scid  }
0x8b: {  	s0 =	sand.u32 $0x1, s1  }
0x8c: {  	s16 =	sshll.u32 s0, $0xA;
	s2 =	sadd.s32 s3, s2  }
0x8d: {  	s2 =	sadd.s32 s2, s16  }
0x8e: {  	[smem:$0x3FC2] =	sst s2  }
0x8f: {  	_ = 	snop  }
0x90: {  	(tm) =	ssettm $0x1  }
0x91: {  	s17 =	sld [smem:$0x3FFB];
	_ =	sdelay $0x3  }
0x92: {  	_ =	strace s17  }
0x93: {  	s2 =	sld [smem:$0x3FFC];
	_ =	sdelay $0x3  }
0x94: {  	_ =	strace s2  }
0x95: {  	s2 =	sld [smem:$0x3FFD];
	_ =	sdelay $0x3  }
0x96: {  	_ =	strace s2  }
0x97: {  	_ =	strace $0x8FFFFFFF  }
0x98: {  	s18 =	sld [smem:$0x3FDB];
	_ =	sdelay $0x1  }
0x99: {  	s19 =	simm.s32 $_scs_section_size  }
0x9a: {  	s4 =	simm.s32 $_size__tile_overlayer_lowered;
	s5 =	simm.s32 $_tile_overlayer_lowered  }
0x9b: {  	s22 =	simm.s32 $0x1BFF;
	s21 =	sshll.u32 s5, $0x1;
	s2 =	sadd.s32 s19, s18  }
0x9c: {  	s6 =	simm.s32 $0x0;
	s20 =	sshll.u32 s4, $0x1;
	s4 =	sadd.s32 s21, s2  }
0x9d: {  	[timem:s6], [sflag:s22] =	dma.local [hbm:s4], s20  }
0x9e: {  	_ =	swait.ge [sflag:s22], s20  }
0x9f: {  	s3 =	ssub.s32 $0x0, s20;
	[sflag:s22] =	ssyncset.done $0x0  }
0xa0: {  	[sflag:s22] =	ssyncadd.s32 s3;
	_ =	sdelay $0x1  }
0xa1: {  	s23 =	simm.s32 $0x1B8B  }
0xa2: {  	_ =	swait.ge [sflag:s23], $0x1  }
0xa3: {  	[sflag:s23] =	ssyncset.done $0x0  }
0xa4: {  	s25 =	simm.s32 $0x1B8E;
	s24 =	sld [smem:$0x3FFE];
	[sflag:s23] =	ssyncadd.s32 $0xFFFFFFFF  }
0xa5: {  	s26 =	simm.s32 $execute0_lowered;
	[smem:$0x3FD2] =	sst s25  }
0xa6: {  	s4 =	sshll.u32 s26, $0x1;
	_ =	strace $0x8000004C;
	[dreg:$0x1] =	wrdreg $0xFFFFFFFF  }
0xa7: {  	s28 =	simm.s32 $_size_execute0_lowered;
	s2 =	sadd.s32 s2, s4;
	[dreg:$0x0] =	wrdreg $0x0  }
0xa8: {  	s4 =	sshll.u32 s28, $0x1;
	[dreg:$0x2] =	wrdreg s2  }
0xa9: {  	[dreg:$0x3] =	wrdreg s4  }
0xaa: {  	[dreg:$0x4] =	wrdreg $0xC0  }
0xab: {  	_ =	task [dreg:s6], $0x5FFFF  }
0xac: {  	[dreg:$0x1] =	wrdreg $0xFFFFFFFF  }
0xad: {  	[dreg:$0x0] =	wrdreg $0x60  }
0xae: {  	[dreg:$0x2] =	wrdreg s24  }
0xaf: {  	[dreg:$0x3] =	wrdreg $0x0  }
0xb0: {  	[dreg:$0x4] =	wrdreg $0x9  }
0xb1: {  	_ =	task.clear_ibuf [dreg:s6], $0x5FFFF;
	_ =	strace $0x9000004C  }
0xb2: {  	s29 =	simm.s32 $0x9;
	_ =	strace $0x8000004E  }
0xb3: {  	_ =	swait.ge [sflag:s29], $0x1  }
0xb4: {  	[sflag:s29] =	ssyncadd.s32 $0xFFFFFFFF  }
0xb5: {  	_ =	strace $0x9000004E  }
0xb6: {  	_ =	sfence  }
0xb7: {  	s30 =	sld [smem:$0x0];
	_ =	sdelay $0x2  }
0xb8: {  	s31 =	sshll.u32 s1, $0xD;
	s1 =	sshrl.u32 s1, $0x2  }
0xb9: {  	s3 =	sand.u32 $0x4000, s31;
	s1 =	sadd.s32 s1, s30  }
0xba: {  	s0 =	sor.u32 s3, s0;
	s1 =	sshll.u32 s1, $0x11  }
0xbb: {  	s0 =	sor.u32 s1, s0  }
0xbc: {  	s0 =	sadd.s32 $0x8F2B, s0  }
0xbd: {  	[sflag:s0] =	ssyncadd.remote.s32 $0x1  }
0xbe: {  	_ =	sfence.sel $0xFFFF  }
0xbf: {  	[dreg:$0x0] =	wrdreg $0xFFFFFFFF;
	(pc) =	sbr.abs _section_cstart, $3  }
0xc0: {  	[dreg:$0x1] =	wrdreg $0xFFFFFFFF  }
0xc1: {  	_ =	task.clear_ibuf [dreg:s6], $0x2FFFF;
	_ =	strace $0x9FFFFFFF  }
0xc2: {  	(tm) =	ssettm $0x7FFFFFFF  }
0xc3: {  	_ =	shalt  }
tec
execute0_lowered:
.L_overlay_start_1:
0x0: {  	(tag) =	ssettag $0x1  }
0x1: {  	s1 =	srdreg.scid  }
0x2: {  	s0 =	stileid.u32;
	s1 =	sand.u32 $0x1, s1  }
0x3: {  	s2 =	sshll.u32 s0, $0x4;
	s7 =	smul.u32 $0x2800, s0;
	s3 =	sshll.u32 s1, $0x3  }
0x4: {  	s8 =	smul.u32 $0x28000, s1;
	s3 =	sor.u32 s3, s2  }
0x5: {  	s5 =	rddreg [dreg:$0x0];
	s4 =	smul.u32 $0x9D, s3  }
0x6: {  	s2 =	rddreg [dreg:$0x1];
	s3 =	simm.s32 $0x0;
	s8 =	sadd.s32 s7, s8  }
0x7: {  	[smem:$0x7FF] =	sst s3;
	s8 =	sshrl.u32 s8, $0x3;
	s6 =	sadd.s32 s4, s5  }
0x8: {  	_ =	strace $0x8000004D;
	s4 =	sadd.s32 $0x15A00, s5;
	s9 =	sadd.s32 $0xBC00, s6  }
0x9: {  	s5 =	sadd.s32 s8, s5;
	s6 =	sadd.s32 $0x1E00, s6;
	[dreg:$0x3] =	wrdreg s9  }
0xa: {  	s5 =	sadd.s32 $0x1AA00, s5;
	[dreg:$0x4] =	wrdreg s6  }
0xb: {  	s24 =	sshrl.u32 s7, $0x3;
	[dreg:$0x6] =	wrdreg s5  }
0xc: {  	s6 =	sadd.s32 s4, s24;
	s25 =	rddreg [dreg:$0x3]  }
0xd: {  	s5 =	simm.s32 $0x5;
	[dreg:$0x5] =	wrdreg s6;
	s6 =	simm.s32 $0x2800  }
0xe: {  	[tilespmem:s6], [sflag:$0x5] =	stream.linear.gather [hbm4b:s25+s3], $0x2740, $0x38;
	[tilespmem:$0x112C0] =	vst v63  }
0xf: {  	_ =	swait.ge [sflag:s5], $0x2740  }
0x10: {  	s10 =	sshll.u32 s0, $0x6;
	s11 =	sadd.s32 s7, s2;
	[sflag:s5] =	ssyncset.done $0x0  }
0x11: {  	s7 =	simm.s32 $0x4F40;
	s26 =	rddreg [dreg:$0x4];
	[sflag:s5] =	ssyncadd.s32 $0xFFFFD8C0  }
0x12: {  	[tilespmem:s7], [sflag:$0x5] =	stream.linear.gather [hbm4b:s26+s3], $0x2740, $0x38;
	[tilespmem:$0x112C0] =	vst v63  }
0x13: {  	s10 =	sor.u32 $0x1C05, s10;
	_ =	swait.ge [sflag:s5], $0x2740  }
0x14: {  	s11 =	sshrl.u32 s11, $0x3;
	s8 =	simm.s32 $0x4E2;
	[sflag:s5] =	ssyncset.done $0x0  }
0x15: {  	s9 =	simm.s32 $0x7680;
	s12 =	rddreg [dreg:$0x5];
	[sflag:s5] =	ssyncadd.s32 $0xFFFFD8C0  }
0x16: {  	[tilespmem:s9], [sflag:$0x1] =	stream.indirect.gather [hbm4b:s4+s8], $0x10, s6, s8, $0xb8;
	[tilespmem:$0x112C0] =	vst v63  }
0x17: {  	[spmem:s11], [sflag:s10] =	dma.local [hbm:s12], $0x500  }
0x18: {  	_ =	swait.ge [sflag:s5], $0x500  }
0x19: {  	[sflag:s5] =	ssyncset.done $0x0  }
0x1a: {  	s13 =	simm.s32 $0xC4A0;
	[sflag:s5] =	ssyncadd.s32 $0xFFFFFB00  }
0x1b: {  	s14 =	simm.s32 $0x1;
	s12 =	simm.s32 $0x2CE8;
	[bflag:$0x0] =	sbarrier.arrive $0xFFFF  }
0x1c: {  	[tilespmem:s13], [sflag:$0x2] =	stream.indirect.gather [hbm4b:s4+s8], $0x10, s12, s8, $0xb8;
	[tilespmem:$0x112C0] =	vst v63  }
0x1d: {  	_ =	swait.ge [sflag:s14], $0x4E20  }
0x1e: {  	[sflag:s14] =	ssyncset.done $0x0  }
0x1f: {  	s15 =	simm.s32 $0x2;
	[sflag:s14] =	ssyncadd.s32 $0xFFFFB1E0  }
0x20: {  	[spmem:s2] =	stream.indirect.scatter.add.f32 [tilespmem:s9], [sflag:$0x3], $0x10, s7, s8, $0xb8;
	[tilespmem:$0x112C0] =	vst v63  }
0x21: {  	_ =	swait.ge [sflag:s15], $0x4E20  }
0x22: {  	[sflag:s15] =	ssyncset.done $0x0  }
0x23: {  	s16 =	simm.s32 $0x5428;
	s17 =	simm.s32 $0x3;
	[sflag:s15] =	ssyncadd.s32 $0xFFFFB1E0  }
0x24: {  	[spmem:s2] =	stream.indirect.scatter.add.f32 [tilespmem:s13], [sflag:$0x4], $0x10, s16, s8, $0xb8;
	[tilespmem:$0x112C0] =	vst v63  }
0x25: {  	_ =	swait.ge [sflag:s17], $0x4E20  }
0x26: {  	[sflag:s17] =	ssyncset.done $0x0  }
0x27: {  	s18 =	simm.s32 $0x31D0;
	s19 =	simm.s32 $0x4;
	[sflag:s17] =	ssyncadd.s32 $0xFFFFB1E0  }
0x28: {  	[tilespmem:s9], [sflag:$0x1] =	stream.indirect.gather [hbm4b:s4+s8], $0x10, s18, s8, $0xb8;
	[tilespmem:$0x112C0] =	vst v63  }
0x29: {  	_ =	swait.ge [sflag:s19], $0x4E20  }
0x2a: {  	[sflag:s19] =	ssyncset.done $0x0  }
0x2b: {  	s20 =	simm.s32 $0x36B8;
	[sflag:s19] =	ssyncadd.s32 $0xFFFFB1E0  }
0x2c: {  	[tilespmem:s13], [sflag:$0x2] =	stream.indirect.gather [hbm4b:s4+s8], $0x10, s20, s8, $0xb8;
	[tilespmem:$0x112C0] =	vst v63  }
0x2d: {  	_ =	swait.ge [sflag:s14], $0x4E20  }
0x2e: {  	[sflag:s14] =	ssyncset.done $0x0  }
0x2f: {  	s21 =	simm.s32 $0x5910;
	[sflag:s14] =	ssyncadd.s32 $0xFFFFB1E0  }
0x30: {  	[spmem:s2] =	stream.indirect.scatter.add.f32 [tilespmem:s9], [sflag:$0x3], $0x10, s21, s8, $0xb8;
	[tilespmem:$0x112C0] =	vst v63  }
0x31: {  	_ =	swait.ge [sflag:s15], $0x4E20  }
0x32: {  	[sflag:s15] =	ssyncset.done $0x0  }
0x33: {  	s22 =	simm.s32 $0x5DF8;
	[sflag:s15] =	ssyncadd.s32 $0xFFFFB1E0  }
0x34: {  	[spmem:s2] =	stream.indirect.scatter.add.f32 [tilespmem:s13], [sflag:$0x4], $0x10, s22, s8, $0xb8;
	[tilespmem:$0x112C0] =	vst v63  }
0x35: {  	_ =	swait.ge [sflag:s17], $0x4E20  }
0x36: {  	[sflag:s17] =	ssyncset.done $0x0  }
0x37: {  	s23 =	simm.s32 $0x3BA0;
	[sflag:s17] =	ssyncadd.s32 $0xFFFFB1E0  }
0x38: {  	[tilespmem:s9], [sflag:$0x1] =	stream.indirect.gather [hbm4b:s4+s8], $0x10, s23, s8, $0xb8;
	[tilespmem:$0x112C0] =	vst v63  }
0x39: {  	_ =	swait.ge [sflag:s19], $0x4E20  }
0x3a: {  	[sflag:s19] =	ssyncset.done $0x0  }
0x3b: {  	s24 =	simm.s32 $0x4088;
	[sflag:s19] =	ssyncadd.s32 $0xFFFFB1E0  }
0x3c: {  	[tilespmem:s13], [sflag:$0x2] =	stream.indirect.gather [hbm4b:s4+s8], $0x10, s24, s8, $0xb8;
	[tilespmem:$0x112C0] =	vst v63  }
0x3d: {  	_ =	swait.ge [sflag:s14], $0x4E20  }
0x3e: {  	[sflag:s14] =	ssyncset.done $0x0  }
0x3f: {  	s25 =	simm.s32 $0x62E0;
	[sflag:s14] =	ssyncadd.s32 $0xFFFFB1E0  }
0x40: {  	[spmem:s2] =	stream.indirect.scatter.add.f32 [tilespmem:s9], [sflag:$0x3], $0x10, s25, s8, $0xb8;
	[tilespmem:$0x112C0] =	vst v63  }
0x41: {  	_ =	swait.ge [sflag:s15], $0x4E20  }
0x42: {  	[sflag:s15] =	ssyncset.done $0x0  }
0x43: {  	s26 =	simm.s32 $0x67C8;
	[sflag:s15] =	ssyncadd.s32 $0xFFFFB1E0  }
0x44: {  	[spmem:s2] =	stream.indirect.scatter.add.f32 [tilespmem:s13], [sflag:$0x4], $0x10, s26, s8, $0xb8;
	[tilespmem:$0x112C0] =	vst v63  }
0x45: {  	_ =	swait.ge [sflag:s17], $0x4E20  }
0x46: {  	[sflag:s17] =	ssyncset.done $0x0  }
0x47: {  	s28 =	simm.s32 $0x4570;
	[sflag:s17] =	ssyncadd.s32 $0xFFFFB1E0  }
0x48: {  	[tilespmem:s9], [sflag:$0x1] =	stream.indirect.gather [hbm4b:s4+s8], $0x10, s28, s8, $0xb8;
	[tilespmem:$0x112C0] =	vst v63  }
0x49: {  	_ =	swait.ge [sflag:s19], $0x4E20  }
0x4a: {  	[sflag:s19] =	ssyncset.done $0x0  }
0x4b: {  	s29 =	simm.s32 $0x4A58;
	[sflag:s19] =	ssyncadd.s32 $0xFFFFB1E0  }
0x4c: {  	[tilespmem:s13], [sflag:$0x2] =	stream.indirect.gather [hbm4b:s4+s8], $0x10, s29, s8, $0xb8;
	[tilespmem:$0x112C0] =	vst v63  }
0x4d: {  	_ =	swait.ge [sflag:s14], $0x4E20  }
0x4e: {  	[sflag:s14] =	ssyncset.done $0x0  }
0x4f: {  	s30 =	simm.s32 $0x6CB0;
	[sflag:s14] =	ssyncadd.s32 $0xFFFFB1E0  }
0x50: {  	[spmem:s2] =	stream.indirect.scatter.add.f32 [tilespmem:s9], [sflag:$0x3], $0x10, s30, s8, $0xb8;
	[tilespmem:$0x112C0] =	vst v63  }
0x51: {  	_ =	swait.ge [sflag:s15], $0x4E20  }
0x52: {  	[sflag:s15] =	ssyncset.done $0x0  }
0x53: {  	s31 =	simm.s32 $0x7198;
	[sflag:s15] =	ssyncadd.s32 $0xFFFFB1E0  }
0x54: {  	[spmem:s2] =	stream.indirect.scatter.add.f32 [tilespmem:s13], [sflag:$0x4], $0x10, s31, s8, $0xb8;
	[tilespmem:$0x112C0] =	vst v63  }
0x55: {  	_ =	swait.ge [sflag:s17], $0x4E20  }
0x56: {  	[sflag:s17] =	ssyncset.done $0x0  }
0x57: {  	[sflag:s17] =	ssyncadd.s32 $0xFFFFB1E0  }
0x58: {  	_ =	swait.ge [sflag:s19], $0x4E20  }
0x59: {  	[sflag:s19] =	ssyncset.done $0x0  }
0x5a: {  	[sflag:s19] =	ssyncadd.s32 $0xFFFFB1E0  }
0x5b: {  	[bflag:$0x0] =	sbarrier.arrive $0xFFFF  }
0x5c: {  	s1 =	ssub.s32 $0x2, s1;
	s0 =	rddreg [dreg:$0x6]  }
0x5d: {  	[dreg:$0x7] =	wrdreg s0;
	s0 =	sshrl.u32 s1, $0x1  }
0x5e: {  	s0 =	ssub.s32 s1, s0  }
0x5f: {  	s0 =	smax.u32 s0, $0x1  }
0x60: {  	p0 =	sne.s32 s0, $0x1  }
.Ltmp0:
0x61: {  	_ = 	snop;
	(pc) =	sbr.rel @!p0 .LBB2_2-.Ltmp0, $4  }
0x62: {  	_ = 	snop  }
0x63: {  	s1 =	rddreg [dreg:$0x7]  }
0x64: {  	[hbm:s1], [sflag:s10] =	dma.local [spmem:s11], $0x500  }
0x65: {  	s1 =	sadd.s32 $0xFFFFFFFF, s0;
	_ =	swait.ge [sflag:s5], $0x500  }
.LBB2_1:
0x66: {  	[sflag:s5] =	ssyncset.done $0x0  }
0x67: {  	s0 =	rddreg [dreg:$0x3];
	[sflag:s5] =	ssyncadd.s32 $0xFFFFFB00  }
0x68: {  	[tilespmem:s6], [sflag:$0x5] =	stream.linear.gather [hbm4b:s0+s3], $0x2740, $0x38;
	[tilespmem:$0x112C0] =	vst v63  }
0x69: {  	_ =	swait.ge [sflag:s5], $0x2740  }
0x6a: {  	[sflag:s5] =	ssyncset.done $0x0  }
0x6b: {  	s0 =	rddreg [dreg:$0x4];
	[sflag:s5] =	ssyncadd.s32 $0xFFFFD8C0  }
0x6c: {  	[tilespmem:s7], [sflag:$0x5] =	stream.linear.gather [hbm4b:s0+s3], $0x2740, $0x38;
	[tilespmem:$0x112C0] =	vst v63  }
0x6d: {  	_ =	swait.ge [sflag:s5], $0x2740  }
0x6e: {  	[sflag:s5] =	ssyncset.done $0x0  }
0x6f: {  	s0 =	rddreg [dreg:$0x5];
	[sflag:s5] =	ssyncadd.s32 $0xFFFFD8C0  }
0x70: {  	[tilespmem:s9], [sflag:$0x1] =	stream.indirect.gather [hbm4b:s4+s8], $0x10, s6, s8, $0xb8;
	[tilespmem:$0x112C0] =	vst v63  }
0x71: {  	[spmem:s11], [sflag:s10] =	dma.local [hbm:s0], $0x500  }
0x72: {  	_ =	swait.ge [sflag:s5], $0x500  }
0x73: {  	[sflag:s5] =	ssyncset.done $0x0  }
0x74: {  	[sflag:s5] =	ssyncadd.s32 $0xFFFFFB00  }
0x75: {  	[bflag:$0x0] =	sbarrier.arrive $0xFFFF  }
0x76: {  	[tilespmem:s13], [sflag:$0x2] =	stream.indirect.gather [hbm4b:s4+s8], $0x10, s12, s8, $0xb8;
	[tilespmem:$0x112C0] =	vst v63  }
0x77: {  	_ =	swait.ge [sflag:s14], $0x4E20  }
0x78: {  	[sflag:s14] =	ssyncset.done $0x0  }
0x79: {  	[sflag:s14] =	ssyncadd.s32 $0xFFFFB1E0  }
0x7a: {  	[spmem:s2] =	stream.indirect.scatter.add.f32 [tilespmem:s9], [sflag:$0x3], $0x10, s7, s8, $0xb8;
	[tilespmem:$0x112C0] =	vst v63  }
0x7b: {  	_ =	swait.ge [sflag:s15], $0x4E20  }
0x7c: {  	[sflag:s15] =	ssyncset.done $0x0  }
0x7d: {  	[sflag:s15] =	ssyncadd.s32 $0xFFFFB1E0  }
0x7e: {  	[spmem:s2] =	stream.indirect.scatter.add.f32 [tilespmem:s13], [sflag:$0x4], $0x10, s16, s8, $0xb8;
	[tilespmem:$0x112C0] =	vst v63  }
0x7f: {  	_ =	swait.ge [sflag:s17], $0x4E20  }
0x80: {  	[sflag:s17] =	ssyncset.done $0x0  }
0x81: {  	[sflag:s17] =	ssyncadd.s32 $0xFFFFB1E0  }
0x82: {  	[tilespmem:s9], [sflag:$0x1] =	stream.indirect.gather [hbm4b:s4+s8], $0x10, s18, s8, $0xb8;
	[tilespmem:$0x112C0] =	vst v63  }
0x83: {  	_ =	swait.ge [sflag:s19], $0x4E20  }
0x84: {  	[sflag:s19] =	ssyncset.done $0x0  }
0x85: {  	[sflag:s19] =	ssyncadd.s32 $0xFFFFB1E0  }
0x86: {  	[tilespmem:s13], [sflag:$0x2] =	stream.indirect.gather [hbm4b:s4+s8], $0x10, s20, s8, $0xb8;
	[tilespmem:$0x112C0] =	vst v63  }
0x87: {  	_ =	swait.ge [sflag:s14], $0x4E20  }
0x88: {  	[sflag:s14] =	ssyncset.done $0x0  }
0x89: {  	[sflag:s14] =	ssyncadd.s32 $0xFFFFB1E0  }
0x8a: {  	[spmem:s2] =	stream.indirect.scatter.add.f32 [tilespmem:s9], [sflag:$0x3], $0x10, s21, s8, $0xb8;
	[tilespmem:$0x112C0] =	vst v63  }
0x8b: {  	_ =	swait.ge [sflag:s15], $0x4E20  }
0x8c: {  	[sflag:s15] =	ssyncset.done $0x0  }
0x8d: {  	[sflag:s15] =	ssyncadd.s32 $0xFFFFB1E0  }
0x8e: {  	[spmem:s2] =	stream.indirect.scatter.add.f32 [tilespmem:s13], [sflag:$0x4], $0x10, s22, s8, $0xb8;
	[tilespmem:$0x112C0] =	vst v63  }
0x8f: {  	_ =	swait.ge [sflag:s17], $0x4E20  }
0x90: {  	[sflag:s17] =	ssyncset.done $0x0  }
0x91: {  	[sflag:s17] =	ssyncadd.s32 $0xFFFFB1E0  }
0x92: {  	[tilespmem:s9], [sflag:$0x1] =	stream.indirect.gather [hbm4b:s4+s8], $0x10, s23, s8, $0xb8;
	[tilespmem:$0x112C0] =	vst v63  }
0x93: {  	_ =	swait.ge [sflag:s19], $0x4E20  }
0x94: {  	[sflag:s19] =	ssyncset.done $0x0  }
0x95: {  	[sflag:s19] =	ssyncadd.s32 $0xFFFFB1E0  }
0x96: {  	[tilespmem:s13], [sflag:$0x2] =	stream.indirect.gather [hbm4b:s4+s8], $0x10, s24, s8, $0xb8;
	[tilespmem:$0x112C0] =	vst v63  }
0x97: {  	_ =	swait.ge [sflag:s14], $0x4E20  }
0x98: {  	[sflag:s14] =	ssyncset.done $0x0  }
0x99: {  	[sflag:s14] =	ssyncadd.s32 $0xFFFFB1E0  }
0x9a: {  	[spmem:s2] =	stream.indirect.scatter.add.f32 [tilespmem:s9], [sflag:$0x3], $0x10, s25, s8, $0xb8;
	[tilespmem:$0x112C0] =	vst v63  }
0x9b: {  	_ =	swait.ge [sflag:s15], $0x4E20  }
0x9c: {  	[sflag:s15] =	ssyncset.done $0x0  }
0x9d: {  	[sflag:s15] =	ssyncadd.s32 $0xFFFFB1E0  }
0x9e: {  	[spmem:s2] =	stream.indirect.scatter.add.f32 [tilespmem:s13], [sflag:$0x4], $0x10, s26, s8, $0xb8;
	[tilespmem:$0x112C0] =	vst v63  }
0x9f: {  	_ =	swait.ge [sflag:s17], $0x4E20  }
0xa0: {  	[sflag:s17] =	ssyncset.done $0x0  }
0xa1: {  	[sflag:s17] =	ssyncadd.s32 $0xFFFFB1E0  }
0xa2: {  	[tilespmem:s9], [sflag:$0x1] =	stream.indirect.gather [hbm4b:s4+s8], $0x10, s28, s8, $0xb8;
	[tilespmem:$0x112C0] =	vst v63  }
0xa3: {  	_ =	swait.ge [sflag:s19], $0x4E20  }
0xa4: {  	[sflag:s19] =	ssyncset.done $0x0  }
0xa5: {  	[sflag:s19] =	ssyncadd.s32 $0xFFFFB1E0  }
0xa6: {  	[tilespmem:s13], [sflag:$0x2] =	stream.indirect.gather [hbm4b:s4+s8], $0x10, s29, s8, $0xb8;
	[tilespmem:$0x112C0] =	vst v63  }
0xa7: {  	_ =	swait.ge [sflag:s14], $0x4E20  }
0xa8: {  	[sflag:s14] =	ssyncset.done $0x0  }
0xa9: {  	[sflag:s14] =	ssyncadd.s32 $0xFFFFB1E0  }
0xaa: {  	[spmem:s2] =	stream.indirect.scatter.add.f32 [tilespmem:s9], [sflag:$0x3], $0x10, s30, s8, $0xb8;
	[tilespmem:$0x112C0] =	vst v63  }
0xab: {  	_ =	swait.ge [sflag:s15], $0x4E20  }
0xac: {  	[sflag:s15] =	ssyncset.done $0x0  }
0xad: {  	[sflag:s15] =	ssyncadd.s32 $0xFFFFB1E0  }
0xae: {  	[spmem:s2] =	stream.indirect.scatter.add.f32 [tilespmem:s13], [sflag:$0x4], $0x10, s31, s8, $0xb8;
	[tilespmem:$0x112C0] =	vst v63  }
0xaf: {  	_ =	swait.ge [sflag:s17], $0x4E20  }
0xb0: {  	[sflag:s17] =	ssyncset.done $0x0  }
0xb1: {  	[sflag:s17] =	ssyncadd.s32 $0xFFFFB1E0  }
0xb2: {  	_ =	swait.ge [sflag:s19], $0x4E20  }
0xb3: {  	p0 =	sne.s32 s1, $0x1;
	[sflag:s19] =	ssyncset.done $0x0  }
.Ltmp1:
0xb4: {  	[sflag:s19] =	ssyncadd.s32 $0xFFFFB1E0;
	(pc) =	sbr.rel @p0 .LBB2_1-.Ltmp1, $4  }
0xb5: {  	[bflag:$0x0] =	sbarrier.arrive $0xFFFF  }
0xb6: {  	s0 =	rddreg [dreg:$0x6]  }
0xb7: {  	[hbm:s0], [sflag:s10] =	dma.local [spmem:s11], $0x500  }
0xb8: {  	s1 =	sadd.s32 $0xFFFFFFFF, s1;
	_ =	swait.ge [sflag:s5], $0x500  }
.LBB2_2:
0xb9: {  	[sflag:s5] =	ssyncset.done $0x0  }
0xba: {  	[sflag:s5] =	ssyncadd.s32 $0xFFFFFB00  }
0xbb: {  	_ =	sfence.sel $0x180000  }
0xbc: {  	[bflag:$0x0] =	sbarrier.arrive $0xFFFF  }
0xbd: {  	_ =	strace $0x9000004D  }
0xbe: {  	s0 =	stileid.u32;
	[bflag:$0x2] =	sbarrier.arrive $0xFFFF  }
0xbf: {  	p0 =	sne.s32 s0, $0x0;
	s0 =	rddreg [dreg:$0x2]  }
0xc0: {  	s0 =	sadd.s32 @!p0 $0x100000, s0  }
0xc1: {  	[sflag:s0] =	ssyncadd.tile.s32 @!p0 $0x1;
	_ =	shalt  }
.Lfunc_end2:
_tile_overlayer_lowered:
.L_overlay_start_2:
0xc2: {  	(tag) =	ssettag $0x2  }
0xc3: {  	s0 =	rddreg [dreg:$0x0];
	s2 =	stileid.u32  }
0xc4: {  	s1 =	rddreg [dreg:$0x1];
	p0 =	sne.s32 s2, $0x0  }
0xc5: {  	s3 =	rddreg [dreg:$0x2];
	[bflag:$0x3] =	sbarrier.arrive $0xFFFF;
	s2 =	simm.s32 @!p0 $0x1C05  }
0xc6: {  	[timem:s3], [sflag:s2] =	dma.local @!p0 [hbm:s0], s1  }
0xc7: {  	s0 =	simm.s32 @!p0 $0x5  }
0xc8: {  	_ =	swait.ge @!p0 [sflag:s0], s1  }
0xc9: {  	s1 =	ssub.s32 @!p0 $0x0, s1;
	[sflag:s0] =	ssyncset.done @!p0 $0x0  }
0xca: {  	[sflag:s0] =	ssyncadd.s32 @!p0 s1  }
0xcb: {  	[bflag:$0x3] =	sbarrier.arrive $0xFFFF  }
0xcc: {  	_ =	shalt  }

// kernel: kernel.9.cloned.1.call-start
scs
__scs_entry_jumppad:
0x0: {  	(pc) =	sbr.rel $0x88, $3  }
0x1: {  	(tag) =	ssettag $0x0;
	lr =	simm.s32 $0x1  }
0x2: {  	[smem:$0x3F9B] =	sst lr;
	_ =	strace $0xD0000000  }
0x3: {  	_ = 	snop  }
0x4: {  	_ = 	snop  }
0x5: {  	_ = 	snop  }
0x6: {  	_ = 	snop  }
0x7: {  	_ = 	snop  }
__scs_overlays_trampoline_lowered:
0x8: {  	[smem:$0x3FAA] =	sst s0  }
0x9: {  	[smem:$0x3FAB] =	sst s1  }
0xa: {  	[smem:$0x3FAC] =	sst s2  }
0xb: {  	[smem:$0x3FAD] =	sst s3  }
0xc: {  	[smem:$0x3FAE] =	sst s4  }
0xd: {  	[smem:$0x3FAF] =	sst s5  }
0xe: {  	[smem:$0x3FB0] =	sst s6  }
0xf: {  	[smem:$0x3FB1] =	sst s7  }
0x10: {  	[smem:$0x3FB2] =	sst s8  }
0x11: {  	[smem:$0x3FB3] =	sst s9;
	s0 =	simm.s32 @!p0 $0x0  }
0x12: {  	s1 =	sld [smem:$0x3F99];
	s0 =	simm.s32 @p0 $0x1  }
0x13: {  	[smem:$0x3FB4] =	sst s0;
	s0 =	simm.s32 @!p1 $0x0  }
0x14: {  	s2 =	sld [smem:$0x3F98];
	s0 =	simm.s32 @p1 $0x1  }
0x15: {  	[smem:$0x3FB5] =	sst s0;
	s0 =	simm.s32 @!p2 $0x0  }
0x16: {  	s3 =	sld [smem:$0x3FDB];
	s0 =	simm.s32 @p2 $0x1  }
0x17: {  	s4 =	simm.s32 $0x1BF5;
	[smem:$0x3FB7] =	sst s0  }
0x18: {  	s0 =	sld [smem:$0x3F9A];
	_ =	swait.ge [sflag:s4], $0x0  }
0x19: {  	s7 =	sld [smem:$0x3F9B]  }
0x1a: {  	s8 =	sadd.s32 $0xFFFFE003, lr  }
0x1b: {  	s9 =	sadd.s32 $0xFFFFFEF7, lr;
	s5 =	simm.s32 $0xFFFFFFFF;
	p2 =	slt.u32 s8, $0xFFFFF086  }
0x1c: {  	p1 =	slt.u32 s9, $0xF7A;
	s5 =	simm.s32 @!p2 $0x0  }
0x1d: {  	s5 =	simm.s32 @p1 $0x1;
	p0 =	seq.s32 s7, s2  }
0x1e: {  	s7 =	smul.u32 @!p0 $0xF7A, s2;
	p2 =	seq.s32 @!p0 s5, $0x0  }
0x1f: {  	s9 =	smul.u32 $0xF7A, s1;
	s8 =	simm.s32 @!p0 $0x1BF5;
	p2 =	por !p2, p0  }
0x20: {  	[sflag:s8] =	ssyncset.s32 @!p0 $0xFFFFF086;
	s6 =	sadd.s32 @!p0 s3, s7;
	s7 =	simm.s32 @!p0 $0x108  }
0x21: {  	s3 =	sadd.s32 s3, s9;
	s6 =	sadd.s32 @!p0 $0x88, s6;
	s7 =	simm.s32 @p2 $0x1082  }
0x22: {  	[simem:s7], [sflag:s8] =	dma.local @!p0 [hbm:s6], $0xF7A  }
0x23: {  	s9 =	sor.u32 $0xD0000000, s2;
	s6 =	simm.s32 $0x108;
	_ =	swait.ge @!p0 [sflag:s8], $0x0  }
0x24: {  	s3 =	sadd.s32 $0x88, s3;
	s6 =	simm.s32 @!p1 $0x1082;
	[sflag:s4] =	ssyncset.s32 $0xFFFFF086  }
0x25: {  	[simem:s6], [sflag:s4] =	dma.local [hbm:s3], $0xF7A  }
0x26: {  	[smem:$0x3F9B] =	sst s1;
	(tag) =	ssettag s2;
	_ =	strace s9  }
0x27: {  	s1 =	sld [smem:$0x3FAB]  }
0x28: {  	s2 =	sld [smem:$0x3FAC]  }
0x29: {  	s4 =	sld [smem:$0x3FAE]  }
0x2a: {  	p0 =	seq.s32 s5, $0x0;
	s5 =	sld [smem:$0x3FAF]  }
0x2b: {  	s6 =	sld [smem:$0x3FB0]  }
0x2c: {  	s7 =	sld [smem:$0x3FB1]  }
0x2d: {  	s3 =	simm.s32 $0x108;
	s8 =	sld [smem:$0x3FB2]  }
0x2e: {  	s3 =	simm.s32 @!p0 $0x1082;
	s9 =	sld [smem:$0x3FB3]  }
0x2f: {  	lr =	sadd.s32 s0, s3;
	s0 =	sld [smem:$0x3FAA]  }
0x30: {  	s3 =	sld [smem:$0x3FAD]  }
0x31: {  	[smem:$0x3FB6] =	sst s10  }
0x32: {  	s10 =	sld [smem:$0x3FB4];
	_ =	sdelay $0x3  }
0x33: {  	p0 =	seq.s32 s10, $0x1;
	s10 =	sld [smem:$0x3FB6];
	_ =	sdelay $0x3  }
0x34: {  	[smem:$0x3FB6] =	sst s10  }
0x35: {  	s10 =	sld [smem:$0x3FB5];
	_ =	sdelay $0x3  }
0x36: {  	p1 =	seq.s32 s10, $0x1;
	s10 =	sld [smem:$0x3FB6];
	_ =	sdelay $0x3  }
0x37: {  	[smem:$0x3FB6] =	sst s10  }
0x38: {  	s10 =	sld [smem:$0x3FB7]  }
0x39: {  	_ = 	snop;
	(pc) =	sbr.ind lr, $3  }
0x3a: {  	_ = 	snop  }
0x3b: {  	_ = 	snop  }
0x3c: {  	p2 =	seq.s32 s10, $0x1;
	s10 =	sld [smem:$0x3FB6]  }
0x3d: {  	_ =	shalt  }
0x3e: {  	_ =	shalt  }
0x3f: {  	_ =	shalt  }
0x40: {  	_ =	shalt  }
0x41: {  	_ =	shalt  }
0x42: {  	_ =	shalt  }
0x43: {  	_ =	shalt  }
0x44: {  	_ =	shalt  }
0x45: {  	_ =	shalt  }
0x46: {  	_ =	shalt  }
0x47: {  	_ =	shalt  }
0x48: {  	_ =	shalt  }
0x49: {  	_ =	shalt  }
0x4a: {  	_ =	shalt  }
0x4b: {  	_ =	shalt  }
0x4c: {  	_ =	shalt  }
0x4d: {  	_ =	shalt  }
0x4e: {  	_ =	shalt  }
0x4f: {  	_ =	shalt  }
0x50: {  	_ =	shalt  }
0x51: {  	_ =	shalt  }
0x52: {  	_ =	shalt  }
0x53: {  	_ =	shalt  }
0x54: {  	_ =	shalt  }
0x55: {  	_ =	shalt  }
0x56: {  	_ =	shalt  }
0x57: {  	_ =	shalt  }
0x58: {  	_ =	shalt  }
0x59: {  	_ =	shalt  }
0x5a: {  	_ =	shalt  }
0x5b: {  	_ =	shalt  }
0x5c: {  	_ =	shalt  }
0x5d: {  	_ =	shalt  }
0x5e: {  	_ =	shalt  }
0x5f: {  	_ =	shalt  }
0x60: {  	_ =	shalt  }
0x61: {  	_ =	shalt  }
0x62: {  	_ =	shalt  }
0x63: {  	_ =	shalt  }
0x64: {  	_ =	shalt  }
0x65: {  	_ =	shalt  }
0x66: {  	_ =	shalt  }
0x67: {  	_ =	shalt  }
0x68: {  	_ =	shalt  }
0x69: {  	_ =	shalt  }
0x6a: {  	_ =	shalt  }
0x6b: {  	_ =	shalt  }
0x6c: {  	_ =	shalt  }
0x6d: {  	_ =	shalt  }
0x6e: {  	_ =	shalt  }
0x6f: {  	_ =	shalt  }
0x70: {  	_ =	shalt  }
0x71: {  	_ =	shalt  }
0x72: {  	_ =	shalt  }
0x73: {  	_ =	shalt  }
0x74: {  	_ =	shalt  }
0x75: {  	_ =	shalt  }
0x76: {  	_ =	shalt  }
0x77: {  	_ =	shalt  }
0x78: {  	_ =	shalt  }
0x79: {  	_ =	shalt  }
0x7a: {  	_ =	shalt  }
0x7b: {  	_ =	shalt  }
0x7c: {  	_ =	shalt  }
0x7d: {  	_ =	shalt  }
0x7e: {  	_ =	shalt  }
0x7f: {  	_ =	shalt  }
0x80: {  	_ =	shalt  }
0x81: {  	_ =	shalt  }
0x82: {  	_ =	shalt  }
0x83: {  	_ =	shalt  }
0x84: {  	_ =	shalt  }
0x85: {  	_ =	shalt  }
0x86: {  	_ =	shalt  }
0x87: {  	_ =	shalt  }
.Lfunc_end0:
.L_simem_size_0:
called_computation_lowered:
.L_overlay_start_0:
0x88: {  	s2 =	sld [smem:$0x3FD9]  }
0x89: {  	s3 =	sld [smem:$0x3FFE];
	_ =	sdelay $0x1  }
0x8a: {  	s1 =	srdreg.scid  }
0x8b: {  	s0 =	sand.u32 $0x1, s1  }
0x8c: {  	s16 =	sshll.u32 s0, $0xA;
	s2 =	sadd.s32 s3, s2  }
0x8d: {  	s2 =	sadd.s32 s2, s16  }
0x8e: {  	[smem:$0x3FC2] =	sst s2  }
0x8f: {  	_ = 	snop  }
0x90: {  	(tm) =	ssettm $0x1  }
0x91: {  	s17 =	sld [smem:$0x3FFB];
	_ =	sdelay $0x3  }
0x92: {  	_ =	strace s17  }
0x93: {  	s2 =	sld [smem:$0x3FFC];
	_ =	sdelay $0x3  }
0x94: {  	_ =	strace s2  }
0x95: {  	s2 =	sld [smem:$0x3FFD];
	_ =	sdelay $0x3  }
0x96: {  	_ =	strace s2  }
0x97: {  	_ =	strace $0x8FFFFFFF  }
0x98: {  	s18 =	sld [smem:$0x3FDB];
	_ =	sdelay $0x1  }
0x99: {  	s19 =	simm.s32 $_scs_section_size  }
0x9a: {  	s4 =	simm.s32 $_size__tile_overlayer_lowered;
	s5 =	simm.s32 $_tile_overlayer_lowered  }
0x9b: {  	s22 =	simm.s32 $0x1BFF;
	s21 =	sshll.u32 s5, $0x1;
	s2 =	sadd.s32 s19, s18  }
0x9c: {  	s6 =	simm.s32 $0x0;
	s20 =	sshll.u32 s4, $0x1;
	s4 =	sadd.s32 s21, s2  }
0x9d: {  	[timem:s6], [sflag:s22] =	dma.local [hbm:s4], s20  }
0x9e: {  	_ =	swait.ge [sflag:s22], s20  }
0x9f: {  	s3 =	ssub.s32 $0x0, s20;
	[sflag:s22] =	ssyncset.done $0x0  }
0xa0: {  	[sflag:s22] =	ssyncadd.s32 s3;
	_ =	sdelay $0x1  }
0xa1: {  	s23 =	simm.s32 $0x1B8B  }
0xa2: {  	_ =	swait.ge [sflag:s23], $0x1  }
0xa3: {  	[sflag:s23] =	ssyncset.done $0x0  }
0xa4: {  	s25 =	simm.s32 $0x1B8E;
	s24 =	sld [smem:$0x3FFE];
	[sflag:s23] =	ssyncadd.s32 $0xFFFFFFFF  }
0xa5: {  	s26 =	simm.s32 $execute0_lowered;
	[smem:$0x3FD2] =	sst s25  }
0xa6: {  	s4 =	sshll.u32 s26, $0x1;
	_ =	strace $0x80000046;
	[dreg:$0x1] =	wrdreg $0xFFFFFFFF  }
0xa7: {  	s28 =	simm.s32 $_size_execute0_lowered;
	s2 =	sadd.s32 s2, s4;
	[dreg:$0x0] =	wrdreg $0x0  }
0xa8: {  	s4 =	sshll.u32 s28, $0x1;
	[dreg:$0x2] =	wrdreg s2  }
0xa9: {  	[dreg:$0x3] =	wrdreg s4  }
0xaa: {  	[dreg:$0x4] =	wrdreg $0xC0  }
0xab: {  	_ =	task [dreg:s6], $0x5FFFF  }
0xac: {  	[dreg:$0x1] =	wrdreg $0xFFFFFFFF  }
0xad: {  	[dreg:$0x0] =	wrdreg $0x60  }
0xae: {  	[dreg:$0x2] =	wrdreg s24  }
0xaf: {  	[dreg:$0x3] =	wrdreg $0x0  }
0xb0: {  	[dreg:$0x4] =	wrdreg $0x9  }
0xb1: {  	_ =	task.clear_ibuf [dreg:s6], $0x5FFFF;
	_ =	strace $0x90000046  }
0xb2: {  	s29 =	simm.s32 $0x9;
	_ =	strace $0x80000048  }
0xb3: {  	_ =	swait.ge [sflag:s29], $0x1  }
0xb4: {  	[sflag:s29] =	ssyncadd.s32 $0xFFFFFFFF  }
0xb5: {  	_ =	strace $0x90000048  }
0xb6: {  	_ =	sfence  }
0xb7: {  	s30 =	sld [smem:$0x0];
	_ =	sdelay $0x2  }
0xb8: {  	s31 =	sshll.u32 s1, $0xD;
	s1 =	sshrl.u32 s1, $0x2  }
0xb9: {  	s3 =	sand.u32 $0x4000, s31;
	s1 =	sadd.s32 s1, s30  }
0xba: {  	s0 =	sor.u32 s3, s0;
	s1 =	sshll.u32 s1, $0x11  }
0xbb: {  	s0 =	sor.u32 s1, s0  }
0xbc: {  	s0 =	sadd.s32 $0x8F2B, s0  }
0xbd: {  	[sflag:s0] =	ssyncadd.remote.s32 $0x1  }
0xbe: {  	_ =	sfence.sel $0xFFFF  }
0xbf: {  	[dreg:$0x0] =	wrdreg $0xFFFFFFFF;
	(pc) =	sbr.abs _section_cstart, $3  }
0xc0: {  	[dreg:$0x1] =	wrdreg $0xFFFFFFFF  }
0xc1: {  	_ =	task.clear_ibuf [dreg:s6], $0x2FFFF;
	_ =	strace $0x9FFFFFFF  }
0xc2: {  	(tm) =	ssettm $0x7FFFFFFF  }
0xc3: {  	_ =	shalt  }
tec
execute0_lowered:
.L_overlay_start_1:
0x0: {  	(tag) =	ssettag $0x1  }
0x1: {  	s1 =	srdreg.scid;
	s21 =	rddreg [dreg:$0x0]  }
0x2: {  	s0 =	stileid.u32;
	s2 =	rddreg [dreg:$0x1]  }
0x3: {  	s3 =	simm.s32 $0x0;
	s6 =	simm.s32 $0x4F40;
	s22 =	sand.u32 $0x1, s1  }
0x4: {  	s4 =	sshll.u32 s0, $0x4;
	[smem:$0x7FF] =	sst s3;
	s5 =	sshll.u32 s22, $0x3  }
0x5: {  	s1 =	rddreg [dreg:$0x2];
	_ =	strace $0x80000047;
	s4 =	sor.u32 s5, s4  }
0x6: {  	s5 =	simm.s32 $0x2;
	s7 =	smul.u32 $0x9D, s4;
	s4 =	sadd.s32 $0x10C00, s21  }
0x7: {  	[tilespmem:s6], [sflag:$0x2] =	stream.linear.gather [hbm4b:s4+s3], $0x4E20, $0x38;
	[tilespmem:$0x9D60] =	vst v63  }
0x8: {  	s8 =	simm.s32 $0x2800;
	_ =	swait.ge [sflag:s5], $0x4E20  }
0x9: {  	s23 =	smul.u32 $0x2800, s0;
	s7 =	sadd.s32 s7, s21;
	[sflag:s5] =	ssyncset.done $0x0  }
0xa: {  	s10 =	sshll.u32 s0, $0x6;
	s7 =	sadd.s32 $0x1E00, s7;
	[sflag:s5] =	ssyncadd.s32 $0xFFFFB1E0  }
0xb: {  	[tilespmem:s8], [sflag:$0x2] =	stream.linear.gather [hbm4b:s7+s3], $0x2740, $0x38;
	[tilespmem:$0x9D60] =	vst v63  }
0xc: {  	s10 =	sor.u32 $0x1C02, s10;
	s9 =	sshrl.u32 s23, $0x3;
	_ =	swait.ge [sflag:s5], $0x2740  }
0xd: {  	s11 =	sadd.s32 s23, s2;
	s9 =	sadd.s32 s9, s21;
	[sflag:s5] =	ssyncset.done $0x0  }
0xe: {  	s11 =	sshrl.u32 s11, $0x3;
	s9 =	sadd.s32 $0xBC00, s9;
	[sflag:s5] =	ssyncadd.s32 $0xFFFFD8C0  }
0xf: {  	[spmem:s11], [sflag:s10] =	dma.local [hbm:s9], $0x500  }
0x10: {  	_ =	swait.ge [sflag:s5], $0x500  }
0x11: {  	[sflag:s5] =	ssyncset.done $0x0  }
0x12: {  	[sflag:s5] =	ssyncadd.s32 $0xFFFFFB00  }
0x13: {  	s12 =	simm.s32 $0x4E2;
	[bflag:$0x0] =	sbarrier.arrive $0xFFFF  }
0x14: {  	[spmem:s2] =	stream.indirect.scatter.add.f32 [tilespmem:s6], [sflag:$0x1], $0x10, s8, s12, $0xb8;
	[tilespmem:$0x9D60] =	vst v63  }
0x15: {  	s13 =	simm.s32 $0x2CE8  }
0x16: {  	[spmem:s2] =	stream.indirect.scatter.add.f32 [tilespmem:s6], [sflag:$0x1], $0x10, s13, s12, $0xb8;
	[tilespmem:$0x9D60] =	vst v63  }
0x17: {  	s14 =	simm.s32 $0x31D0  }
0x18: {  	[spmem:s2] =	stream.indirect.scatter.add.f32 [tilespmem:s6], [sflag:$0x1], $0x10, s14, s12, $0xb8;
	[tilespmem:$0x9D60] =	vst v63  }
0x19: {  	s15 =	simm.s32 $0x36B8  }
0x1a: {  	[spmem:s2] =	stream.indirect.scatter.add.f32 [tilespmem:s6], [sflag:$0x1], $0x10, s15, s12, $0xb8;
	[tilespmem:$0x9D60] =	vst v63  }
0x1b: {  	s16 =	simm.s32 $0x3BA0  }
0x1c: {  	[spmem:s2] =	stream.indirect.scatter.add.f32 [tilespmem:s6], [sflag:$0x1], $0x10, s16, s12, $0xb8;
	[tilespmem:$0x9D60] =	vst v63  }
0x1d: {  	s17 =	simm.s32 $0x4088  }
0x1e: {  	[spmem:s2] =	stream.indirect.scatter.add.f32 [tilespmem:s6], [sflag:$0x1], $0x10, s17, s12, $0xb8;
	[tilespmem:$0x9D60] =	vst v63  }
0x1f: {  	s18 =	simm.s32 $0x4570  }
0x20: {  	[spmem:s2] =	stream.indirect.scatter.add.f32 [tilespmem:s6], [sflag:$0x1], $0x10, s18, s12, $0xb8;
	[tilespmem:$0x9D60] =	vst v63  }
0x21: {  	s19 =	simm.s32 $0x4A58;
	s20 =	simm.s32 $0x1  }
0x22: {  	[spmem:s2] =	stream.indirect.scatter.add.f32 [tilespmem:s6], [sflag:$0x1], $0x10, s19, s12, $0xb8;
	[tilespmem:$0x9D60] =	vst v63  }
0x23: {  	_ =	swait.ge [sflag:s20], $0x4E20  }
0x24: {  	[sflag:s20] =	ssyncset.done $0x0  }
0x25: {  	[sflag:s20] =	ssyncadd.s32 $0xFFFFB1E0  }
0x26: {  	_ =	swait.ge [sflag:s20], $0x4E20  }
0x27: {  	[sflag:s20] =	ssyncset.done $0x0  }
0x28: {  	[sflag:s20] =	ssyncadd.s32 $0xFFFFB1E0  }
0x29: {  	_ =	swait.ge [sflag:s20], $0x4E20  }
0x2a: {  	[sflag:s20] =	ssyncset.done $0x0  }
0x2b: {  	[sflag:s20] =	ssyncadd.s32 $0xFFFFB1E0  }
0x2c: {  	_ =	swait.ge [sflag:s20], $0x4E20  }
0x2d: {  	[sflag:s20] =	ssyncset.done $0x0  }
0x2e: {  	[sflag:s20] =	ssyncadd.s32 $0xFFFFB1E0  }
0x2f: {  	_ =	swait.ge [sflag:s20], $0x4E20  }
0x30: {  	[sflag:s20] =	ssyncset.done $0x0  }
0x31: {  	[sflag:s20] =	ssyncadd.s32 $0xFFFFB1E0  }
0x32: {  	_ =	swait.ge [sflag:s20], $0x4E20  }
0x33: {  	[sflag:s20] =	ssyncset.done $0x0  }
0x34: {  	[sflag:s20] =	ssyncadd.s32 $0xFFFFB1E0  }
0x35: {  	s24 =	smul.u32 $0x28000, s22;
	s22 =	ssub.s32 $0x2, s22;
	_ =	swait.ge [sflag:s20], $0x4E20  }
0x36: {  	s31 =	sshrl.u32 s22, $0x1;
	[sflag:s20] =	ssyncset.done $0x0  }
0x37: {  	s22 =	ssub.s32 s22, s31;
	[sflag:s20] =	ssyncadd.s32 $0xFFFFB1E0  }
0x38: {  	s23 =	sadd.s32 s23, s24;
	s22 =	smax.u32 s22, $0x1;
	_ =	swait.ge [sflag:s20], $0x4E20  }
0x39: {  	s23 =	sshrl.u32 s23, $0x3;
	p0 =	sne.s32 s22, $0x1;
	[sflag:s20] =	ssyncset.done $0x0  }
.Ltmp0:
0x3a: {  	s21 =	sadd.s32 s23, s21;
	[sflag:s20] =	ssyncadd.s32 $0xFFFFB1E0;
	(pc) =	sbr.rel @!p0 .LBB2_2-.Ltmp0, $4  }
0x3b: {  	s21 =	sadd.s32 $0x11600, s21;
	[bflag:$0x0] =	sbarrier.arrive $0xFFFF  }
0x3c: {  	[hbm:s21], [sflag:s10] =	dma.local [spmem:s11], $0x500  }
0x3d: {  	_ =	swait.ge [sflag:s5], $0x500  }
0x3e: {  	s22 =	sadd.s32 $0xFFFFFFFF, s22;
	[sflag:s5] =	ssyncset.done $0x0  }
.LBB2_1:
0x3f: {  	p0 =	sne.s32 s22, $0x1;
	s22 =	sadd.s32 $0xFFFFFFFF, s22;
	[sflag:s5] =	ssyncadd.s32 $0xFFFFFB00  }
0x40: {  	[tilespmem:s6], [sflag:$0x2] =	stream.linear.gather [hbm4b:s4+s3], $0x4E20, $0x38;
	[tilespmem:$0x9D60] =	vst v63  }
0x41: {  	_ =	swait.ge [sflag:s5], $0x4E20  }
0x42: {  	[sflag:s5] =	ssyncset.done $0x0  }
0x43: {  	[sflag:s5] =	ssyncadd.s32 $0xFFFFB1E0  }
0x44: {  	[tilespmem:s8], [sflag:$0x2] =	stream.linear.gather [hbm4b:s7+s3], $0x2740, $0x38;
	[tilespmem:$0x9D60] =	vst v63  }
0x45: {  	_ =	swait.ge [sflag:s5], $0x2740  }
0x46: {  	[sflag:s5] =	ssyncset.done $0x0  }
0x47: {  	[sflag:s5] =	ssyncadd.s32 $0xFFFFD8C0  }
0x48: {  	[spmem:s11], [sflag:s10] =	dma.local [hbm:s9], $0x500  }
0x49: {  	_ =	swait.ge [sflag:s5], $0x500  }
0x4a: {  	[sflag:s5] =	ssyncset.done $0x0  }
0x4b: {  	[sflag:s5] =	ssyncadd.s32 $0xFFFFFB00  }
0x4c: {  	[bflag:$0x0] =	sbarrier.arrive $0xFFFF  }
0x4d: {  	[spmem:s2] =	stream.indirect.scatter.add.f32 [tilespmem:s6], [sflag:$0x1], $0x10, s8, s12, $0xb8;
	[tilespmem:$0x9D60] =	vst v63  }
0x4e: {  	_ = 	snop  }
0x4f: {  	[spmem:s2] =	stream.indirect.scatter.add.f32 [tilespmem:s6], [sflag:$0x1], $0x10, s13, s12, $0xb8;
	[tilespmem:$0x9D60] =	vst v63  }
0x50: {  	_ = 	snop  }
0x51: {  	[spmem:s2] =	stream.indirect.scatter.add.f32 [tilespmem:s6], [sflag:$0x1], $0x10, s14, s12, $0xb8;
	[tilespmem:$0x9D60] =	vst v63  }
0x52: {  	_ = 	snop  }
0x53: {  	[spmem:s2] =	stream.indirect.scatter.add.f32 [tilespmem:s6], [sflag:$0x1], $0x10, s15, s12, $0xb8;
	[tilespmem:$0x9D60] =	vst v63  }
0x54: {  	_ = 	snop  }
0x55: {  	[spmem:s2] =	stream.indirect.scatter.add.f32 [tilespmem:s6], [sflag:$0x1], $0x10, s16, s12, $0xb8;
	[tilespmem:$0x9D60] =	vst v63  }
0x56: {  	_ = 	snop  }
0x57: {  	[spmem:s2] =	stream.indirect.scatter.add.f32 [tilespmem:s6], [sflag:$0x1], $0x10, s17, s12, $0xb8;
	[tilespmem:$0x9D60] =	vst v63  }
0x58: {  	_ = 	snop  }
0x59: {  	[spmem:s2] =	stream.indirect.scatter.add.f32 [tilespmem:s6], [sflag:$0x1], $0x10, s18, s12, $0xb8;
	[tilespmem:$0x9D60] =	vst v63  }
0x5a: {  	_ = 	snop  }
0x5b: {  	[spmem:s2] =	stream.indirect.scatter.add.f32 [tilespmem:s6], [sflag:$0x1], $0x10, s19, s12, $0xb8;
	[tilespmem:$0x9D60] =	vst v63  }
0x5c: {  	_ =	swait.ge [sflag:s20], $0x4E20  }
0x5d: {  	[sflag:s20] =	ssyncset.done $0x0  }
0x5e: {  	[sflag:s20] =	ssyncadd.s32 $0xFFFFB1E0  }
0x5f: {  	_ =	swait.ge [sflag:s20], $0x4E20  }
0x60: {  	[sflag:s20] =	ssyncset.done $0x0  }
0x61: {  	[sflag:s20] =	ssyncadd.s32 $0xFFFFB1E0  }
0x62: {  	_ =	swait.ge [sflag:s20], $0x4E20  }
0x63: {  	[sflag:s20] =	ssyncset.done $0x0  }
0x64: {  	[sflag:s20] =	ssyncadd.s32 $0xFFFFB1E0  }
0x65: {  	_ =	swait.ge [sflag:s20], $0x4E20  }
0x66: {  	[sflag:s20] =	ssyncset.done $0x0  }
0x67: {  	[sflag:s20] =	ssyncadd.s32 $0xFFFFB1E0  }
0x68: {  	_ =	swait.ge [sflag:s20], $0x4E20  }
0x69: {  	[sflag:s20] =	ssyncset.done $0x0  }
0x6a: {  	[sflag:s20] =	ssyncadd.s32 $0xFFFFB1E0  }
0x6b: {  	_ =	swait.ge [sflag:s20], $0x4E20  }
0x6c: {  	[sflag:s20] =	ssyncset.done $0x0  }
0x6d: {  	[sflag:s20] =	ssyncadd.s32 $0xFFFFB1E0  }
0x6e: {  	_ =	swait.ge [sflag:s20], $0x4E20  }
0x6f: {  	[sflag:s20] =	ssyncset.done $0x0  }
0x70: {  	[sflag:s20] =	ssyncadd.s32 $0xFFFFB1E0  }
0x71: {  	_ =	swait.ge [sflag:s20], $0x4E20  }
0x72: {  	[sflag:s20] =	ssyncset.done $0x0  }
.Ltmp1:
0x73: {  	[sflag:s20] =	ssyncadd.s32 $0xFFFFB1E0;
	(pc) =	sbr.rel @p0 .LBB2_1-.Ltmp1, $4  }
0x74: {  	[bflag:$0x0] =	sbarrier.arrive $0xFFFF  }
0x75: {  	[hbm:s21], [sflag:s10] =	dma.local [spmem:s11], $0x500  }
0x76: {  	_ =	swait.ge [sflag:s5], $0x500  }
0x77: {  	[sflag:s5] =	ssyncset.done $0x0  }
.LBB2_2:
0x78: {  	[sflag:s5] =	ssyncadd.s32 $0xFFFFFB00  }
0x79: {  	_ =	sfence.sel $0x180000  }
0x7a: {  	[bflag:$0x0] =	sbarrier.arrive $0xFFFF  }
0x7b: {  	p0 =	sne.s32 s0, $0x0;
	_ =	strace $0x90000047  }
0x7c: {  	s0 =	sadd.s32 @!p0 $0x100000, s1;
	[bflag:$0x2] =	sbarrier.arrive $0xFFFF  }
0x7d: {  	[sflag:s0] =	ssyncadd.tile.s32 @!p0 $0x1;
	_ =	shalt  }
.Lfunc_end2:
_tile_overlayer_lowered:
.L_overlay_start_2:
0x7e: {  	(tag) =	ssettag $0x2  }
0x7f: {  	s0 =	rddreg [dreg:$0x0];
	s2 =	stileid.u32  }
0x80: {  	s1 =	rddreg [dreg:$0x1];
	p0 =	sne.s32 s2, $0x0  }
0x81: {  	s3 =	rddreg [dreg:$0x2];
	[bflag:$0x3] =	sbarrier.arrive $0xFFFF;
	s2 =	simm.s32 @!p0 $0x1C02  }
0x82: {  	[timem:s3], [sflag:s2] =	dma.local @!p0 [hbm:s0], s1  }
0x83: {  	s0 =	simm.s32 @!p0 $0x2  }
0x84: {  	_ =	swait.ge @!p0 [sflag:s0], s1  }
0x85: {  	s1 =	ssub.s32 @!p0 $0x0, s1;
	[sflag:s0] =	ssyncset.done @!p0 $0x0  }
0x86: {  	[sflag:s0] =	ssyncadd.s32 @!p0 s1  }
0x87: {  	[bflag:$0x3] =	sbarrier.arrive $0xFFFF  }
0x88: {  	_ =	shalt  }

</sc_bundles>
